<compile_context>
chip_gen: v7x
topology: tpu7x:2x2x1
jax: 0.10.2.dev20260603
libtpu: 0.0.44.dev20260713+nightly
codegen_flags: <defaults>
</compile_context>

<pallas_src>
import jax
import jax.numpy as jnp
from jax import lax
from jax.experimental import pallas as pl
from jax.experimental.pallas import tpu as pltpu
from jax.experimental.pallas import tpu_sc as plsc

_K = 8
_N = 50000
_E = 1600000
_NC = 2
_NS = 16
_NW = _NC * _NS
_NPW = 1664
_NPAD = _NW * _NPW
_RP_PAD = _NPAD + 8
_C = 8192
_SLOT = _C + 16

_NEG_INF = float("-inf")


def _sload(ref, i):
    return ref[pl.ds(i, 16)][0]


def _sc_body(rp_hbm, es_hbm, vals_hbm, idx_hbm, rp_v, buf_v, vals_v, idx_v,
             sem):
    cid = lax.axis_index("c")
    sid = lax.axis_index("s")
    wid = (sid * _NC + cid).astype(jnp.int32)
    node0 = wid * _NPW

    pltpu.async_copy(rp_hbm.at[pl.ds(node0, _NPW + 8)],
                     rp_v.at[pl.ds(0, _NPW + 8)], sem).wait()

    lane = lax.iota(jnp.int32, 16)
    lane_lt8 = lane < _K
    neg_inf_v = jnp.full((16,), _NEG_INF, jnp.float32)
    neg_one_v = jnp.full((16,), -1, jnp.int32)
    ones_b = jnp.ones((16,), jnp.bool_)

    e_lo = _sload(rp_v, 0)
    e_hi = _sload(rp_v, _NPW)
    base0 = (e_lo // 8) * 8
    nwin = jnp.maximum((e_hi - base0 + _C - 1) // _C, 1)

    def win_base(k):
        return jnp.minimum(base0 + k * _C, _E - _C)

    pltpu.async_copy(es_hbm.at[pl.ds(win_base(0), _C)],
                     buf_v.at[pl.ds(0, _C)], sem)

    def block(c3, stop_, delta):
        v = buf_v[pl.ds(c3 + delta, 16)]
        m = lane < (stop_ - c3)
        vm = jnp.where(m, v, neg_inf_v)
        im = jnp.where(m, c3 + lane, neg_one_v)
        return plsc.sort_key_val(vm, im, descending=True)

    def splice(sv, si, tv_, ti_):
        rv = lax.rev(sv, (0,))
        ri = lax.rev(si, (0,))
        cv = jnp.where(lane_lt8, tv_, rv)
        ci = jnp.where(lane_lt8, ti_, ri)
        nv, ni = plsc.sort_key_val(cv, ci, descending=True)
        return (nv, ni)

    def finalize(m, tv_, ti_, mask):
        col = jnp.full((16,), m, jnp.int32)
        plsc.store_scatter(vals_v, [lane, col], tv_, mask=mask)
        plsc.store_scatter(idx_v, [lane, col], ti_, mask=mask)

    def merge_steps(cur, stop, delta, tv, ti, fresh):
        nsteps = (stop - cur + 15) // 16

        sv0, si0 = block(cur, stop, delta)

        def fresh_fn():
            return (sv0, si0)

        def merge_fn():
            return splice(sv0, si0, tv, ti)

        tv, ti = lax.cond(fresh, fresh_fn, merge_fn)

        def step(j, st):
            sv, si = block(cur + j * 16, stop, delta)
            return splice(sv, si, *st)

        tv, ti = lax.fori_loop(1, nsteps, step, (tv, ti))
        return tv, ti, fresh & (nsteps <= 0)

    def window_body(k, st):
        n_cur, cur, tv, ti, fresh = st
        base = win_base(k)
        slot = (k % 2) * _SLOT
        pltpu.make_async_copy(es_hbm.at[pl.ds(base, _C)],
                              buf_v.at[pl.ds(slot, _C)], sem).wait()

        @pl.when(k + 1 < nwin)
        def _():
            nslot = ((k + 1) % 2) * _SLOT
            pltpu.async_copy(es_hbm.at[pl.ds(win_base(k + 1), _C)],
                             buf_v.at[pl.ds(nslot, _C)], sem)

        wend = base + _C
        delta = slot - base

        n_end = jnp.int32(0)
        for sbit in (1024, 512, 256, 128, 64, 32, 16, 8, 4, 2, 1):
            cand = n_end + sbit
            cc = jnp.minimum(cand, _NPW)
            ok = (cand <= _NPW) & (_sload(rp_v, cc) <= wend)
            n_end = jnp.where(ok, cand, n_end)

        def carry_fn():
            t = _sload(rp_v, n_cur + 1)
            stop = jnp.minimum(t, wend)
            nsteps = (stop - cur + 15) // 16
            sv0, si0 = block(cur, stop, delta)
            tv1, ti1 = splice(sv0, si0, tv, ti)

            def stp(j, s):
                sv, si = block(cur + j * 16, stop, delta)
                return splice(sv, si, *s)

            tv1, ti1 = lax.fori_loop(1, nsteps, stp, (tv1, ti1))
            done = t <= wend
            finalize(n_cur, tv1, ti1, done & lane_lt8)
            dv = done & ones_b
            tvn = jnp.where(dv, neg_inf_v, tv1)
            tin = jnp.where(dv, neg_one_v, ti1)
            return (n_cur + done.astype(jnp.int32), stop, tvn, tin, done)

        def fresh_pass():
            return (n_cur, cur, tv, ti, jnp.bool_(True))

        n_cur2, cur2, tv2, ti2, fresh2 = lax.cond(fresh, fresh_pass, carry_fn)

        def node_body(m, cur3):
            t = _sload(rp_v, m + 1)
            nsteps = (t - cur3 + 15) // 16
            sv0, si0 = block(cur3, t, delta)

            def stp(j, s):
                sv, si = block(cur3 + j * 16, t, delta)
                return splice(sv, si, *s)

            tv3, ti3 = lax.fori_loop(1, nsteps, stp, (sv0, si0))
            finalize(m, tv3, ti3, lane_lt8)
            return t

        cur2 = lax.fori_loop(n_cur2, n_end, node_body, cur2)

        pstop = jnp.minimum(wend, e_hi)
        tv2, ti2, fresh2 = merge_steps(cur2, pstop, delta, tv2, ti2, fresh2)
        return (n_end, pstop, tv2, ti2, fresh2)

    lax.fori_loop(
        0, nwin, window_body,
        (jnp.int32(0), e_lo, jnp.full((16,), _NEG_INF, jnp.float32),
         jnp.full((16,), -1, jnp.int32), jnp.bool_(True)))

    pltpu.async_copy(vals_v, vals_hbm.at[:, pl.ds(node0, _NPW)], sem).wait()
    pltpu.async_copy(idx_v, idx_hbm.at[:, pl.ds(node0, _NPW)], sem).wait()


@jax.jit
def _topk_sc(rp_pad, edge_scores):
    mesh = plsc.VectorSubcoreMesh(
        core_axis_name="c", subcore_axis_name="s",
        num_cores=_NC, num_subcores=_NS)
    fn = pl.kernel(
        _sc_body,
        out_type=[
            jax.ShapeDtypeStruct((_K, _NPAD), jnp.float32),
            jax.ShapeDtypeStruct((_K, _NPAD), jnp.int32),
        ],
        mesh=mesh,
        scratch_types=[
            pltpu.VMEM((_NPW + 24,), jnp.int32),
            pltpu.VMEM((2 * _SLOT,), jnp.float32),
            pltpu.VMEM((_K, _NPW), jnp.float32),
            pltpu.VMEM((_K, _NPW), jnp.int32),
            pltpu.SemaphoreType.DMA,
        ],
        compiler_params=pltpu.CompilerParams(needs_layout_passes=False),
    )
    return fn(rp_pad, edge_scores)


def kernel(row_ptr, edge_scores):
    rp32 = row_ptr.astype(jnp.int32)
    pad = jnp.broadcast_to(rp32[-1:], (_RP_PAD - _N - 1,))
    rp_pad = jnp.concatenate([rp32, pad])
    vals_t, idx_t = _topk_sc(rp_pad, edge_scores)
    vals = vals_t.T[:_N]
    idx = idx_t.T.astype(jnp.int64)[:_N]
    return vals, idx

# --- scband reference (transcript-rebuilt; emitter-appended) ---
"""Pipeline reference for scband-model-50379966382551 (READ-ONLY COPY).

The authoritative reference and input builder live on the scoring server;
editing this copy changes nothing except your own understanding.
"""

import jax
jax.config.update("jax_enable_x64", True)
import jax.numpy as jnp
import numpy as np

K = 8
N_NODES = 50000
N_EDGES = 1600000


def setup_inputs(seed: int = 0) -> dict:
    key = jax.random.key(seed)
    k1, k2 = jax.random.split(key)
    row_ptr = jnp.sort(jax.random.randint(k1, (N_NODES + 1,), 0, N_EDGES, dtype=jnp.int64))
    edge_scores = jax.random.normal(k2, (N_EDGES,), dtype=jnp.float32)
    return {"row_ptr": row_ptr, "edge_scores": edge_scores}


def _topk_csr(row_ptr, edge_scores):
    # Vectorized, faithful translation of the per-node CSR-segment top-k loop.
    N = row_ptr.shape[0] - 1
    E = edge_scores.shape[0]
    e = jnp.arange(E)
    # node owning edge e: largest n with row_ptr[n] <= e; edge belongs to segment
    # [row_ptr[n], row_ptr[n+1]) iff 0 <= n < N (duplicates = empty segments skip)
    node_id = jnp.searchsorted(row_ptr, e, side='right') - 1
    valid = (node_id >= 0) & (node_id < N)
    scores_m = jnp.where(valid, edge_scores, -jnp.inf)
    node_m = jnp.where(valid, node_id, N)
    # stable lexsort: primary key node asc, secondary key score desc
    order = jnp.lexsort((-scores_m, node_m))
    sorted_nodes = node_m[order]
    vals_sorted = scores_m[order]
    counts = jnp.bincount(node_m, length=N + 1)
    starts = jnp.cumsum(counts) - counts  # start position of each node's block
    rank = jnp.arange(E) - starts[sorted_nodes]  # within-segment rank (0 = max)
    topk_vals = jnp.full((N, K), -jnp.inf, dtype=edge_scores.dtype)
    topk_vals = topk_vals.at[sorted_nodes, rank].set(vals_sorted, mode='drop')
    topk_idx = jnp.full((N, K), -1, dtype=jnp.int64)
    topk_idx = topk_idx.at[sorted_nodes, rank].set(order.astype(jnp.int64), mode='drop')
    return topk_vals, topk_idx


def reference(row_ptr, edge_scores):
    return _topk_csr(row_ptr, edge_scores)

if __name__ == "__main__":
    import jax
    _d = setup_inputs()
    print(jax.jit(kernel)(*tuple(_d.values())))

</pallas_src>

<mosaic_0001>
#map = affine_map<(d0, d1) -> (0)>
#map1 = affine_map<(d0, d1) -> (0, 0)>
module attributes {stable_mosaic.version = 14 : i64} {
  func.func @_sc_body(%arg0: i32, %arg1: i32, %arg2: memref<53256xi32, #tpu.memory_space<hbm>>, %arg3: memref<1600000xf32, #tpu.memory_space<hbm>>, %arg4: memref<8x53248xf32, #tpu.memory_space<hbm>>, %arg5: memref<8x53248xi32, #tpu.memory_space<hbm>>, %arg6: memref<1688xi32, #tpu.memory_space<vmem>>, %arg7: memref<16416xf32, #tpu.memory_space<vmem>>, %arg8: memref<8x1664xf32, #tpu.memory_space<vmem>>, %arg9: memref<8x1664xi32, #tpu.memory_space<vmem>>, %arg10: memref<!tpu.dma_semaphore, #tpu.memory_space<semaphore_mem>>) attributes {dimension_semantics = [#tpu.dimension_semantics<core_parallel>, #tpu.dimension_semantics<subcore_parallel>], iteration_bounds = array<i64: 2, 16>, scalar_prefetch = 0 : i64, scratch_operands = 5 : i64, tpu.core_type = #tpu.core_type<sc_vector_subcore>, window_params = [{transform_indices = #map}, {transform_indices = #map}, {transform_indices = #map1}, {transform_indices = #map1}]} {
    %mul3A = arith.constant 2 : i32
    %mul3A_0 = arith.muli %arg1, %mul3A : i32
    %add3A = arith.addi %mul3A_0, %arg0 : i32
    %mul3A_1 = arith.constant 1664 : i32
    %mul3A_2 = arith.muli %add3A, %mul3A_1 : i32
    %dma_start3A = arith.constant 0 : i32
    %dma_start3A_3 = tpu.memref_slice %arg6[%dma_start3A] : memref<1688xi32, #tpu.memory_space<vmem>> -> memref<1672xi32, #tpu.memory_space<vmem>>
    %dma_start3A_4 = tpu.memref_slice %arg2[%mul3A_2] : memref<53256xi32, #tpu.memory_space<hbm>> -> memref<1672xi32, #tpu.memory_space<hbm>>
    %dma_start3A_5 = arith.constant 0 : i32
    %dma_start3A_6 = tpu.memref_slice %arg6[%dma_start3A_5] : memref<1688xi32, #tpu.memory_space<vmem>> -> memref<1672xi32, #tpu.memory_space<vmem>>
    %dma_start3A_7 = tpu.memref_slice %arg2[%mul3A_2] : memref<53256xi32, #tpu.memory_space<hbm>> -> memref<1672xi32, #tpu.memory_space<hbm>>
    tpu.enqueue_dma source(%dma_start3A_7 : memref<1672xi32, #tpu.memory_space<hbm>>) target(%dma_start3A_6 : memref<1672xi32, #tpu.memory_space<vmem>>) target_semaphore(%arg10 : memref<!tpu.dma_semaphore, #tpu.memory_space<semaphore_mem>>)
    %dma_wait3A = arith.constant 0 : i32
    %dma_wait3A_8 = tpu.memref_slice %arg6[%dma_wait3A] : memref<1688xi32, #tpu.memory_space<vmem>> -> memref<1672xi32, #tpu.memory_space<vmem>>
    %dma_wait3A_9 = tpu.memref_slice %arg2[%mul3A_2] : memref<53256xi32, #tpu.memory_space<hbm>> -> memref<1672xi32, #tpu.memory_space<hbm>>
    %dma_wait3A_10 = arith.constant 0 : i32
    %dma_wait3A_11 = tpu.memref_slice %arg6[%dma_wait3A_10] : memref<1688xi32, #tpu.memory_space<vmem>> -> memref<1672xi32, #tpu.memory_space<vmem>>
    %dma_wait3A_12 = tpu.memref_slice %arg2[%mul3A_2] : memref<53256xi32, #tpu.memory_space<hbm>> -> memref<1672xi32, #tpu.memory_space<hbm>>
    tpu.wait_dma2 semaphore(%arg10 : memref<!tpu.dma_semaphore, #tpu.memory_space<semaphore_mem>>) src(%dma_wait3A_12 : memref<1672xi32, #tpu.memory_space<hbm>>) dst(%dma_wait3A_11 : memref<1672xi32, #tpu.memory_space<vmem>>)
    %iota3A = tpu.iota {dimensions = array<i32: 0>} : vector<16xi32>
    %lt3A = arith.constant 8 : i32
    %lt3A_13 = vector.broadcast %lt3A : i32 to vector<16xi32>
    %lt3A_14 = arith.cmpi slt, %iota3A, %lt3A_13 : vector<16xi32>
    %broadcast_in_dim3A = arith.constant 0xFF800000 : f32
    %broadcast_in_dim3A_15 = vector.broadcast %broadcast_in_dim3A : f32 to vector<16xf32>
    %broadcast_in_dim3A_16 = arith.constant -1 : i32
    %broadcast_in_dim3A_17 = vector.broadcast %broadcast_in_dim3A_16 : i32 to vector<16xi32>
    %broadcast_in_dim3A_18 = arith.constant true
    %broadcast_in_dim3A_19 = vector.broadcast %broadcast_in_dim3A_18 : i1 to vector<16xi1>
    %get3A = arith.constant 0 : index
    %get3A_20 = tpu.vector_load %arg6[%get3A] {strides = array<i32>} : memref<1688xi32, #tpu.memory_space<vmem>>, vector<16xi32>,
    %slice3A = vector.extract_strided_slice %get3A_20 {offsets = [0], sizes = [1], strides = [1]} : vector<16xi32> to vector<1xi32>
    %squeeze3A = vector.extract %slice3A[0] : i32 from vector<1xi32>
    %get3A_21 = arith.constant 1664 : index
    %get3A_22 = tpu.vector_load %arg6[%get3A_21] {strides = array<i32>} : memref<1688xi32, #tpu.memory_space<vmem>>, vector<16xi32>,
    %slice3A_23 = vector.extract_strided_slice %get3A_22 {offsets = [0], sizes = [1], strides = [1]} : vector<16xi32> to vector<1xi32>
    %squeeze3A_24 = vector.extract %slice3A_23[0] : i32 from vector<1xi32>
    %jit3A = arith.constant 8 : i64
    %convert_element_type3A = arith.trunci %jit3A : i64 to i32
    %div3A = arith.divsi %squeeze3A, %convert_element_type3A : i32
    %sign3A = arith.constant 0 : i32
    %sign3A_25 = arith.cmpi sgt, %squeeze3A, %sign3A : i32
    %sign3A_26 = arith.extui %sign3A_25 : i1 to i32
    %sign3A_27 = arith.constant 0 : i32
    %sign3A_28 = arith.cmpi slt, %squeeze3A, %sign3A_27 : i32
    %sign3A_29 = arith.extui %sign3A_28 : i1 to i32
    %sign3A_30 = arith.subi %sign3A_26, %sign3A_29 : i32
    %sign3A_31 = arith.constant 0 : i32
    %sign3A_32 = arith.cmpi sgt, %convert_element_type3A, %sign3A_31 : i32
    %sign3A_33 = arith.extui %sign3A_32 : i1 to i32
    %sign3A_34 = arith.constant 0 : i32
    %sign3A_35 = arith.cmpi slt, %convert_element_type3A, %sign3A_34 : i32
    %sign3A_36 = arith.extui %sign3A_35 : i1 to i32
    %sign3A_37 = arith.subi %sign3A_33, %sign3A_36 : i32
    %ne3A = arith.cmpi ne, %sign3A_30, %sign3A_37 : i32
    %rem3A = arith.remsi %squeeze3A, %convert_element_type3A : i32
    %ne3A_38 = arith.constant 0 : i32
    %ne3A_39 = arith.cmpi ne, %rem3A, %ne3A_38 : i32
    %and3A = arith.andi %ne3A, %ne3A_39 : i1
    %sub3A = arith.constant 1 : i32
    %sub3A_40 = arith.subi %div3A, %sub3A : i32
    %select_n3A = arith.select %and3A, %sub3A_40, %div3A : i32
    %mul3A_41 = arith.constant 8 : i32
    %mul3A_42 = arith.muli %select_n3A, %mul3A_41 : i32
    %sub3A_43 = arith.subi %squeeze3A_24, %mul3A_42 : i32
    %add3A_44 = arith.constant 8192 : i32
    %add3A_45 = arith.addi %sub3A_43, %add3A_44 : i32
    %sub3A_46 = arith.constant 1 : i32
    %sub3A_47 = arith.subi %add3A_45, %sub3A_46 : i32
    %jit3A_48 = arith.constant 8192 : i64
    %convert_element_type3A_49 = arith.trunci %jit3A_48 : i64 to i32
    %div3A_50 = arith.divsi %sub3A_47, %convert_element_type3A_49 : i32
    %sign3A_51 = arith.constant 0 : i32
    %sign3A_52 = arith.cmpi sgt, %sub3A_47, %sign3A_51 : i32
    %sign3A_53 = arith.extui %sign3A_52 : i1 to i32
    %sign3A_54 = arith.constant 0 : i32
    %sign3A_55 = arith.cmpi slt, %sub3A_47, %sign3A_54 : i32
    %sign3A_56 = arith.extui %sign3A_55 : i1 to i32
    %sign3A_57 = arith.subi %sign3A_53, %sign3A_56 : i32
    %sign3A_58 = arith.constant 0 : i32
    %sign3A_59 = arith.cmpi sgt, %convert_element_type3A_49, %sign3A_58 : i32
    %sign3A_60 = arith.extui %sign3A_59 : i1 to i32
    %sign3A_61 = arith.constant 0 : i32
    %sign3A_62 = arith.cmpi slt, %convert_element_type3A_49, %sign3A_61 : i32
    %sign3A_63 = arith.extui %sign3A_62 : i1 to i32
    %sign3A_64 = arith.subi %sign3A_60, %sign3A_63 : i32
    %ne3A_65 = arith.cmpi ne, %sign3A_57, %sign3A_64 : i32
    %rem3A_66 = arith.remsi %sub3A_47, %convert_element_type3A_49 : i32
    %ne3A_67 = arith.constant 0 : i32
    %ne3A_68 = arith.cmpi ne, %rem3A_66, %ne3A_67 : i32
    %and3A_69 = arith.andi %ne3A_65, %ne3A_68 : i1
    %sub3A_70 = arith.constant 1 : i32
    %sub3A_71 = arith.subi %div3A_50, %sub3A_70 : i32
    %select_n3A_72 = arith.select %and3A_69, %sub3A_71, %div3A_50 : i32
    %max3A = arith.constant 1 : i32
    %max3A_73 = arith.maxsi %select_n3A_72, %max3A : i32
    %add3A_74 = arith.constant 0 : i32
    %add3A_75 = arith.addi %mul3A_42, %add3A_74 : i32
    %min3A = arith.constant 1591808 : i32
    %min3A_76 = arith.minsi %add3A_75, %min3A : i32
    %dma_start3A_77 = arith.constant 0 : i32
    %dma_start3A_78 = tpu.memref_slice %arg7[%dma_start3A_77] : memref<16416xf32, #tpu.memory_space<vmem>> -> memref<8192xf32, #tpu.memory_space<vmem>>
    %dma_start3A_79 = tpu.memref_slice %arg3[%min3A_76] : memref<1600000xf32, #tpu.memory_space<hbm>> -> memref<8192xf32, #tpu.memory_space<hbm>>
    %dma_start3A_80 = arith.constant 0 : i32
    %dma_start3A_81 = tpu.memref_slice %arg7[%dma_start3A_80] : memref<16416xf32, #tpu.memory_space<vmem>> -> memref<8192xf32, #tpu.memory_space<vmem>>
    %dma_start3A_82 = tpu.memref_slice %arg3[%min3A_76] : memref<1600000xf32, #tpu.memory_space<hbm>> -> memref<8192xf32, #tpu.memory_space<hbm>>
    tpu.enqueue_dma source(%dma_start3A_82 : memref<8192xf32, #tpu.memory_space<hbm>>) target(%dma_start3A_81 : memref<8192xf32, #tpu.memory_space<vmem>>) target_semaphore(%arg10 : memref<!tpu.dma_semaphore, #tpu.memory_space<semaphore_mem>>)
    %broadcast_in_dim3A_83 = arith.constant 0xFF800000 : f32
    %broadcast_in_dim3A_84 = vector.broadcast %broadcast_in_dim3A_83 : f32 to vector<16xf32>
    %broadcast_in_dim3A_85 = arith.constant -1 : i32
    %broadcast_in_dim3A_86 = vector.broadcast %broadcast_in_dim3A_85 : i32 to vector<16xi32>
    %while3A = arith.constant 0 : i32
    %while3A_87 = arith.constant 0 : i32
    %while3A_88 = arith.constant true
    %while3A_89 = arith.subi %max3A_73, %while3A : i32
    %while3A_90 = arith.addi %while3A, %while3A_89 : i32
    %while3A_91 = arith.constant 1 : i32
    %while3A_92 = arith.divsi %while3A_89, %while3A_91 : i32
    %while3A_93 = arith.muli %while3A_92, %while3A_91 : i32
    %while3A_94 = arith.addi %while3A, %while3A_93 : i32
    %while3A_95 = arith.constant 1 : i32
    %while3A_96:5 = scf.for %while3A_115 = %while3A to %while3A_94 step %while3A_95 iter_args(%while3A_116 = %while3A_87, %while3A_117 = %squeeze3A, %while3A_118 = %broadcast_in_dim3A_84, %while3A_119 = %broadcast_in_dim3A_86, %while3A_120 = %while3A_88) -> (i32, i32, vector<16xf32>, vector<16xi32>, i1)  : i32 {
      %mul3A_121 = arith.constant 8192 : i32
      %mul3A_122 = arith.muli %while3A_115, %mul3A_121 : i32
      %add3A_123 = arith.addi %mul3A_42, %mul3A_122 : i32
      %min3A_124 = arith.constant 1591808 : i32
      %min3A_125 = arith.minsi %add3A_123, %min3A_124 : i32
      %jit3A_126 = arith.constant 2 : i64
      %convert_element_type3A_127 = arith.trunci %jit3A_126 : i64 to i32
      %eq3A = arith.constant 0 : i32
      %eq3A_128 = arith.cmpi eq, %convert_element_type3A_127, %eq3A : i32
      %jit3A_129 = arith.constant 1 : i32
      %select_n3A_130 = arith.select %eq3A_128, %jit3A_129, %convert_element_type3A_127 : i32
      %rem3A_131 = arith.remsi %while3A_115, %select_n3A_130 : i32
      %ne3A_132 = arith.constant 0 : i32
      %ne3A_133 = arith.cmpi ne, %rem3A_131, %ne3A_132 : i32
      %lt3A_134 = arith.constant 0 : i32
      %lt3A_135 = arith.cmpi slt, %rem3A_131, %lt3A_134 : i32
      %lt3A_136 = arith.constant 0 : i32
      %lt3A_137 = arith.cmpi slt, %select_n3A_130, %lt3A_136 : i32
      %ne3A_138 = arith.xori %lt3A_135, %lt3A_137 : i1
      %and3A_139 = arith.andi %ne3A_138, %ne3A_133 : i1
      %add3A_140 = arith.addi %rem3A_131, %select_n3A_130 : i32
      %select_n3A_141 = arith.select %and3A_139, %add3A_140, %rem3A_131 : i32
      %mul3A_142 = arith.constant 8208 : i32
      %mul3A_143 = arith.muli %select_n3A_141, %mul3A_142 : i32
      %dma_wait3A_144 = tpu.memref_slice %arg7[%mul3A_143] : memref<16416xf32, #tpu.memory_space<vmem>> -> memref<8192xf32, #tpu.memory_space<vmem>>
      %dma_wait3A_145 = tpu.memref_slice %arg3[%min3A_125] : memref<1600000xf32, #tpu.memory_space<hbm>> -> memref<8192xf32, #tpu.memory_space<hbm>>
      %dma_wait3A_146 = tpu.memref_slice %arg7[%mul3A_143] : memref<16416xf32, #tpu.memory_space<vmem>> -> memref<8192xf32, #tpu.memory_space<vmem>>
      %dma_wait3A_147 = tpu.memref_slice %arg3[%min3A_125] : memref<1600000xf32, #tpu.memory_space<hbm>> -> memref<8192xf32, #tpu.memory_space<hbm>>
      tpu.wait_dma2 semaphore(%arg10 : memref<!tpu.dma_semaphore, #tpu.memory_space<semaphore_mem>>) src(%dma_wait3A_147 : memref<8192xf32, #tpu.memory_space<hbm>>) dst(%dma_wait3A_146 : memref<8192xf32, #tpu.memory_space<vmem>>)
      %add3A_148 = arith.constant 1 : i32
      %add3A_149 = arith.addi %while3A_115, %add3A_148 : i32
      %lt3A_150 = arith.cmpi slt, %add3A_149, %max3A_73 : i32
      %convert_element_type3A_151 = arith.extui %lt3A_150 : i1 to i32
      %cond3A = arith.constant 0 : i32
      %cond3A_152 = arith.cmpi ne, %convert_element_type3A_151, %cond3A : i32
      scf.if %cond3A_152 {
        %add3A_374 = arith.constant 1 : i32
        %add3A_375 = arith.addi %while3A_115, %add3A_374 : i32
        %jit3A_376 = arith.constant 2 : i64
        %convert_element_type3A_377 = arith.trunci %jit3A_376 : i64 to i32
        %eq3A_378 = arith.constant 0 : i32
        %eq3A_379 = arith.cmpi eq, %convert_element_type3A_377, %eq3A_378 : i32
        %jit3A_380 = arith.constant 1 : i32
        %select_n3A_381 = arith.select %eq3A_379, %jit3A_380, %convert_element_type3A_377 : i32
        %rem3A_382 = arith.remsi %add3A_375, %select_n3A_381 : i32
        %ne3A_383 = arith.constant 0 : i32
        %ne3A_384 = arith.cmpi ne, %rem3A_382, %ne3A_383 : i32
        %lt3A_385 = arith.constant 0 : i32
        %lt3A_386 = arith.cmpi slt, %rem3A_382, %lt3A_385 : i32
        %lt3A_387 = arith.constant 0 : i32
        %lt3A_388 = arith.cmpi slt, %select_n3A_381, %lt3A_387 : i32
        %ne3A_389 = arith.xori %lt3A_386, %lt3A_388 : i1
        %and3A_390 = arith.andi %ne3A_389, %ne3A_384 : i1
        %add3A_391 = arith.addi %rem3A_382, %select_n3A_381 : i32
        %select_n3A_392 = arith.select %and3A_390, %add3A_391, %rem3A_382 : i32
        %mul3A_393 = arith.constant 8208 : i32
        %mul3A_394 = arith.muli %select_n3A_392, %mul3A_393 : i32
        %add3A_395 = arith.constant 1 : i32
        %add3A_396 = arith.addi %while3A_115, %add3A_395 : i32
        %mul3A_397 = arith.constant 8192 : i32
        %mul3A_398 = arith.muli %add3A_396, %mul3A_397 : i32
        %add3A_399 = arith.addi %mul3A_42, %mul3A_398 : i32
        %min3A_400 = arith.constant 1591808 : i32
        %min3A_401 = arith.minsi %add3A_399, %min3A_400 : i32
        %dma_start3A_402 = tpu.memref_slice %arg7[%mul3A_394] : memref<16416xf32, #tpu.memory_space<vmem>> -> memref<8192xf32, #tpu.memory_space<vmem>>
        %dma_start3A_403 = tpu.memref_slice %arg3[%min3A_401] : memref<1600000xf32, #tpu.memory_space<hbm>> -> memref<8192xf32, #tpu.memory_space<hbm>>
        %dma_start3A_404 = tpu.memref_slice %arg7[%mul3A_394] : memref<16416xf32, #tpu.memory_space<vmem>> -> memref<8192xf32, #tpu.memory_space<vmem>>
        %dma_start3A_405 = tpu.memref_slice %arg3[%min3A_401] : memref<1600000xf32, #tpu.memory_space<hbm>> -> memref<8192xf32, #tpu.memory_space<hbm>>
        tpu.enqueue_dma source(%dma_start3A_405 : memref<8192xf32, #tpu.memory_space<hbm>>) target(%dma_start3A_404 : memref<8192xf32, #tpu.memory_space<vmem>>) target_semaphore(%arg10 : memref<!tpu.dma_semaphore, #tpu.memory_space<semaphore_mem>>)
      } else {
      }
      %add3A_153 = arith.constant 8192 : i32
      %add3A_154 = arith.addi %min3A_125, %add3A_153 : i32
      %sub3A_155 = arith.subi %mul3A_143, %min3A_125 : i32
      %add3A_156 = arith.constant 0 : i32
      %add3A_157 = arith.constant 1024 : i32
      %add3A_158 = arith.addi %add3A_156, %add3A_157 : i32
      %min3A_159 = arith.constant 1664 : i32
      %min3A_160 = arith.minsi %add3A_158, %min3A_159 : i32
      %le3A = arith.constant 1664 : i32
      %le3A_161 = arith.cmpi sle, %add3A_158, %le3A : i32
      %get3A_162 = arith.index_cast %min3A_160 : i32 to index
      %get3A_163 = tpu.vector_load %arg6[%get3A_162] {strides = array<i32>} : memref<1688xi32, #tpu.memory_space<vmem>>, vector<16xi32>,
      %slice3A_164 = vector.extract_strided_slice %get3A_163 {offsets = [0], sizes = [1], strides = [1]} : vector<16xi32> to vector<1xi32>
      %squeeze3A_165 = vector.extract %slice3A_164[0] : i32 from vector<1xi32>
      %le3A_166 = arith.cmpi sle, %squeeze3A_165, %add3A_154 : i32
      %and3A_167 = arith.andi %le3A_161, %le3A_166 : i1
      %jit3A_168 = arith.constant 0 : i32
      %select_n3A_169 = arith.select %and3A_167, %add3A_158, %jit3A_168 : i32
      %add3A_170 = arith.constant 512 : i32
      %add3A_171 = arith.addi %select_n3A_169, %add3A_170 : i32
      %min3A_172 = arith.constant 1664 : i32
      %min3A_173 = arith.minsi %add3A_171, %min3A_172 : i32
      %le3A_174 = arith.constant 1664 : i32
      %le3A_175 = arith.cmpi sle, %add3A_171, %le3A_174 : i32
      %get3A_176 = arith.index_cast %min3A_173 : i32 to index
      %get3A_177 = tpu.vector_load %arg6[%get3A_176] {strides = array<i32>} : memref<1688xi32, #tpu.memory_space<vmem>>, vector<16xi32>,
      %slice3A_178 = vector.extract_strided_slice %get3A_177 {offsets = [0], sizes = [1], strides = [1]} : vector<16xi32> to vector<1xi32>
      %squeeze3A_179 = vector.extract %slice3A_178[0] : i32 from vector<1xi32>
      %le3A_180 = arith.cmpi sle, %squeeze3A_179, %add3A_154 : i32
      %and3A_181 = arith.andi %le3A_175, %le3A_180 : i1
      %select_n3A_182 = arith.select %and3A_181, %add3A_171, %select_n3A_169 : i32
      %add3A_183 = arith.constant 256 : i32
      %add3A_184 = arith.addi %select_n3A_182, %add3A_183 : i32
      %min3A_185 = arith.constant 1664 : i32
      %min3A_186 = arith.minsi %add3A_184, %min3A_185 : i32
      %le3A_187 = arith.constant 1664 : i32
      %le3A_188 = arith.cmpi sle, %add3A_184, %le3A_187 : i32
      %get3A_189 = arith.index_cast %min3A_186 : i32 to index
      %get3A_190 = tpu.vector_load %arg6[%get3A_189] {strides = array<i32>} : memref<1688xi32, #tpu.memory_space<vmem>>, vector<16xi32>,
      %slice3A_191 = vector.extract_strided_slice %get3A_190 {offsets = [0], sizes = [1], strides = [1]} : vector<16xi32> to vector<1xi32>
      %squeeze3A_192 = vector.extract %slice3A_191[0] : i32 from vector<1xi32>
      %le3A_193 = arith.cmpi sle, %squeeze3A_192, %add3A_154 : i32
      %and3A_194 = arith.andi %le3A_188, %le3A_193 : i1
      %select_n3A_195 = arith.select %and3A_194, %add3A_184, %select_n3A_182 : i32
      %add3A_196 = arith.constant 128 : i32
      %add3A_197 = arith.addi %select_n3A_195, %add3A_196 : i32
      %min3A_198 = arith.constant 1664 : i32
      %min3A_199 = arith.minsi %add3A_197, %min3A_198 : i32
      %le3A_200 = arith.constant 1664 : i32
      %le3A_201 = arith.cmpi sle, %add3A_197, %le3A_200 : i32
      %get3A_202 = arith.index_cast %min3A_199 : i32 to index
      %get3A_203 = tpu.vector_load %arg6[%get3A_202] {strides = array<i32>} : memref<1688xi32, #tpu.memory_space<vmem>>, vector<16xi32>,
      %slice3A_204 = vector.extract_strided_slice %get3A_203 {offsets = [0], sizes = [1], strides = [1]} : vector<16xi32> to vector<1xi32>
      %squeeze3A_205 = vector.extract %slice3A_204[0] : i32 from vector<1xi32>
      %le3A_206 = arith.cmpi sle, %squeeze3A_205, %add3A_154 : i32
      %and3A_207 = arith.andi %le3A_201, %le3A_206 : i1
      %select_n3A_208 = arith.select %and3A_207, %add3A_197, %select_n3A_195 : i32
      %add3A_209 = arith.constant 64 : i32
      %add3A_210 = arith.addi %select_n3A_208, %add3A_209 : i32
      %min3A_211 = arith.constant 1664 : i32
      %min3A_212 = arith.minsi %add3A_210, %min3A_211 : i32
      %le3A_213 = arith.constant 1664 : i32
      %le3A_214 = arith.cmpi sle, %add3A_210, %le3A_213 : i32
      %get3A_215 = arith.index_cast %min3A_212 : i32 to index
      %get3A_216 = tpu.vector_load %arg6[%get3A_215] {strides = array<i32>} : memref<1688xi32, #tpu.memory_space<vmem>>, vector<16xi32>,
      %slice3A_217 = vector.extract_strided_slice %get3A_216 {offsets = [0], sizes = [1], strides = [1]} : vector<16xi32> to vector<1xi32>
      %squeeze3A_218 = vector.extract %slice3A_217[0] : i32 from vector<1xi32>
      %le3A_219 = arith.cmpi sle, %squeeze3A_218, %add3A_154 : i32
      %and3A_220 = arith.andi %le3A_214, %le3A_219 : i1
      %select_n3A_221 = arith.select %and3A_220, %add3A_210, %select_n3A_208 : i32
      %add3A_222 = arith.constant 32 : i32
      %add3A_223 = arith.addi %select_n3A_221, %add3A_222 : i32
      %min3A_224 = arith.constant 1664 : i32
      %min3A_225 = arith.minsi %add3A_223, %min3A_224 : i32
      %le3A_226 = arith.constant 1664 : i32
      %le3A_227 = arith.cmpi sle, %add3A_223, %le3A_226 : i32
      %get3A_228 = arith.index_cast %min3A_225 : i32 to index
      %get3A_229 = tpu.vector_load %arg6[%get3A_228] {strides = array<i32>} : memref<1688xi32, #tpu.memory_space<vmem>>, vector<16xi32>,
      %slice3A_230 = vector.extract_strided_slice %get3A_229 {offsets = [0], sizes = [1], strides = [1]} : vector<16xi32> to vector<1xi32>
      %squeeze3A_231 = vector.extract %slice3A_230[0] : i32 from vector<1xi32>
      %le3A_232 = arith.cmpi sle, %squeeze3A_231, %add3A_154 : i32
      %and3A_233 = arith.andi %le3A_227, %le3A_232 : i1
      %select_n3A_234 = arith.select %and3A_233, %add3A_223, %select_n3A_221 : i32
      %add3A_235 = arith.constant 16 : i32
      %add3A_236 = arith.addi %select_n3A_234, %add3A_235 : i32
      %min3A_237 = arith.constant 1664 : i32
      %min3A_238 = arith.minsi %add3A_236, %min3A_237 : i32
      %le3A_239 = arith.constant 1664 : i32
      %le3A_240 = arith.cmpi sle, %add3A_236, %le3A_239 : i32
      %get3A_241 = arith.index_cast %min3A_238 : i32 to index
      %get3A_242 = tpu.vector_load %arg6[%get3A_241] {strides = array<i32>} : memref<1688xi32, #tpu.memory_space<vmem>>, vector<16xi32>,
      %slice3A_243 = vector.extract_strided_slice %get3A_242 {offsets = [0], sizes = [1], strides = [1]} : vector<16xi32> to vector<1xi32>
      %squeeze3A_244 = vector.extract %slice3A_243[0] : i32 from vector<1xi32>
      %le3A_245 = arith.cmpi sle, %squeeze3A_244, %add3A_154 : i32
      %and3A_246 = arith.andi %le3A_240, %le3A_245 : i1
      %select_n3A_247 = arith.select %and3A_246, %add3A_236, %select_n3A_234 : i32
      %add3A_248 = arith.constant 8 : i32
      %add3A_249 = arith.addi %select_n3A_247, %add3A_248 : i32
      %min3A_250 = arith.constant 1664 : i32
      %min3A_251 = arith.minsi %add3A_249, %min3A_250 : i32
      %le3A_252 = arith.constant 1664 : i32
      %le3A_253 = arith.cmpi sle, %add3A_249, %le3A_252 : i32
      %get3A_254 = arith.index_cast %min3A_251 : i32 to index
      %get3A_255 = tpu.vector_load %arg6[%get3A_254] {strides = array<i32>} : memref<1688xi32, #tpu.memory_space<vmem>>, vector<16xi32>,
      %slice3A_256 = vector.extract_strided_slice %get3A_255 {offsets = [0], sizes = [1], strides = [1]} : vector<16xi32> to vector<1xi32>
      %squeeze3A_257 = vector.extract %slice3A_256[0] : i32 from vector<1xi32>
      %le3A_258 = arith.cmpi sle, %squeeze3A_257, %add3A_154 : i32
      %and3A_259 = arith.andi %le3A_253, %le3A_258 : i1
      %select_n3A_260 = arith.select %and3A_259, %add3A_249, %select_n3A_247 : i32
      %add3A_261 = arith.constant 4 : i32
      %add3A_262 = arith.addi %select_n3A_260, %add3A_261 : i32
      %min3A_263 = arith.constant 1664 : i32
      %min3A_264 = arith.minsi %add3A_262, %min3A_263 : i32
      %le3A_265 = arith.constant 1664 : i32
      %le3A_266 = arith.cmpi sle, %add3A_262, %le3A_265 : i32
      %get3A_267 = arith.index_cast %min3A_264 : i32 to index
      %get3A_268 = tpu.vector_load %arg6[%get3A_267] {strides = array<i32>} : memref<1688xi32, #tpu.memory_space<vmem>>, vector<16xi32>,
      %slice3A_269 = vector.extract_strided_slice %get3A_268 {offsets = [0], sizes = [1], strides = [1]} : vector<16xi32> to vector<1xi32>
      %squeeze3A_270 = vector.extract %slice3A_269[0] : i32 from vector<1xi32>
      %le3A_271 = arith.cmpi sle, %squeeze3A_270, %add3A_154 : i32
      %and3A_272 = arith.andi %le3A_266, %le3A_271 : i1
      %select_n3A_273 = arith.select %and3A_272, %add3A_262, %select_n3A_260 : i32
      %add3A_274 = arith.constant 2 : i32
      %add3A_275 = arith.addi %select_n3A_273, %add3A_274 : i32
      %min3A_276 = arith.constant 1664 : i32
      %min3A_277 = arith.minsi %add3A_275, %min3A_276 : i32
      %le3A_278 = arith.constant 1664 : i32
      %le3A_279 = arith.cmpi sle, %add3A_275, %le3A_278 : i32
      %get3A_280 = arith.index_cast %min3A_277 : i32 to index
      %get3A_281 = tpu.vector_load %arg6[%get3A_280] {strides = array<i32>} : memref<1688xi32, #tpu.memory_space<vmem>>, vector<16xi32>,
      %slice3A_282 = vector.extract_strided_slice %get3A_281 {offsets = [0], sizes = [1], strides = [1]} : vector<16xi32> to vector<1xi32>
      %squeeze3A_283 = vector.extract %slice3A_282[0] : i32 from vector<1xi32>
      %le3A_284 = arith.cmpi sle, %squeeze3A_283, %add3A_154 : i32
      %and3A_285 = arith.andi %le3A_279, %le3A_284 : i1
      %select_n3A_286 = arith.select %and3A_285, %add3A_275, %select_n3A_273 : i32
      %add3A_287 = arith.constant 1 : i32
      %add3A_288 = arith.addi %select_n3A_286, %add3A_287 : i32
      %min3A_289 = arith.constant 1664 : i32
      %min3A_290 = arith.minsi %add3A_288, %min3A_289 : i32
      %le3A_291 = arith.constant 1664 : i32
      %le3A_292 = arith.cmpi sle, %add3A_288, %le3A_291 : i32
      %get3A_293 = arith.index_cast %min3A_290 : i32 to index
      %get3A_294 = tpu.vector_load %arg6[%get3A_293] {strides = array<i32>} : memref<1688xi32, #tpu.memory_space<vmem>>, vector<16xi32>,
      %slice3A_295 = vector.extract_strided_slice %get3A_294 {offsets = [0], sizes = [1], strides = [1]} : vector<16xi32> to vector<1xi32>
      %squeeze3A_296 = vector.extract %slice3A_295[0] : i32 from vector<1xi32>
      %le3A_297 = arith.cmpi sle, %squeeze3A_296, %add3A_154 : i32
      %and3A_298 = arith.andi %le3A_292, %le3A_297 : i1
      %select_n3A_299 = arith.select %and3A_298, %add3A_288, %select_n3A_286 : i32
      %convert_element_type3A_300 = arith.extui %while3A_120 : i1 to i32
      %cond3A_301 = arith.constant 0 : i32
      %cond3A_302 = arith.cmpi ne, %convert_element_type3A_300, %cond3A_301 : i32
      %cond3A_303:5 = scf.if %cond3A_302 -> (i32, i32, vector<16xf32>, vector<16xi32>, i1) {
        %cond3A_374 = arith.constant true
        scf.yield %while3A_116, %while3A_117, %while3A_118, %while3A_119, %cond3A_374 : i32, i32, vector<16xf32>, vector<16xi32>, i1
      } else {
        %add3A_374 = arith.constant 1 : i32
        %add3A_375 = arith.addi %while3A_116, %add3A_374 : i32
        %get3A_376 = arith.index_cast %add3A_375 : i32 to index
        %get3A_377 = tpu.vector_load %arg6[%get3A_376] {strides = array<i32>} : memref<1688xi32, #tpu.memory_space<vmem>>, vector<16xi32>,
        %slice3A_378 = vector.extract_strided_slice %get3A_377 {offsets = [0], sizes = [1], strides = [1]} : vector<16xi32> to vector<1xi32>
        %squeeze3A_379 = vector.extract %slice3A_378[0] : i32 from vector<1xi32>
        %min3A_380 = arith.minsi %squeeze3A_379, %add3A_154 : i32
        %sub3A_381 = arith.subi %min3A_380, %while3A_117 : i32
        %add3A_382 = arith.constant 15 : i32
        %add3A_383 = arith.addi %sub3A_381, %add3A_382 : i32
        %jit3A_384 = arith.constant 16 : i64
        %convert_element_type3A_385 = arith.trunci %jit3A_384 : i64 to i32
        %div3A_386 = arith.divsi %add3A_383, %convert_element_type3A_385 : i32
        %sign3A_387 = arith.constant 0 : i32
        %sign3A_388 = arith.cmpi sgt, %add3A_383, %sign3A_387 : i32
        %sign3A_389 = arith.extui %sign3A_388 : i1 to i32
        %sign3A_390 = arith.constant 0 : i32
        %sign3A_391 = arith.cmpi slt, %add3A_383, %sign3A_390 : i32
        %sign3A_392 = arith.extui %sign3A_391 : i1 to i32
        %sign3A_393 = arith.subi %sign3A_389, %sign3A_392 : i32
        %sign3A_394 = arith.constant 0 : i32
        %sign3A_395 = arith.cmpi sgt, %convert_element_type3A_385, %sign3A_394 : i32
        %sign3A_396 = arith.extui %sign3A_395 : i1 to i32
        %sign3A_397 = arith.constant 0 : i32
        %sign3A_398 = arith.cmpi slt, %convert_element_type3A_385, %sign3A_397 : i32
        %sign3A_399 = arith.extui %sign3A_398 : i1 to i32
        %sign3A_400 = arith.subi %sign3A_396, %sign3A_399 : i32
        %ne3A_401 = arith.cmpi ne, %sign3A_393, %sign3A_400 : i32
        %rem3A_402 = arith.remsi %add3A_383, %convert_element_type3A_385 : i32
        %ne3A_403 = arith.constant 0 : i32
        %ne3A_404 = arith.cmpi ne, %rem3A_402, %ne3A_403 : i32
        %and3A_405 = arith.andi %ne3A_401, %ne3A_404 : i1
        %sub3A_406 = arith.constant 1 : i32
        %sub3A_407 = arith.subi %div3A_386, %sub3A_406 : i32
        %select_n3A_408 = arith.select %and3A_405, %sub3A_407, %div3A_386 : i32
        %add3A_409 = arith.addi %while3A_117, %sub3A_155 : i32
        %get3A_410 = arith.index_cast %add3A_409 : i32 to index
        %get3A_411 = tpu.vector_load %arg7[%get3A_410] {strides = array<i32>} : memref<16416xf32, #tpu.memory_space<vmem>>, vector<16xf32>,
        %sub3A_412 = arith.subi %min3A_380, %while3A_117 : i32
        %lt3A_413 = vector.broadcast %sub3A_412 : i32 to vector<16xi32>
        %lt3A_414 = arith.cmpi slt, %iota3A, %lt3A_413 : vector<16xi32>
        %select_n3A_415 = arith.select %lt3A_414, %get3A_411, %broadcast_in_dim3A_15 : vector<16xi1>, vector<16xf32>
        %add3A_416 = vector.broadcast %while3A_117 : i32 to vector<16xi32>
        %add3A_417 = arith.addi %add3A_416, %iota3A : vector<16xi32>
        %select_n3A_418 = arith.select %lt3A_414, %add3A_417, %broadcast_in_dim3A_17 : vector<16xi1>, vector<16xi32>
        %masked_sort3A_419 = arith.constant dense<true> : vector<16xi1>
        %masked_sort3A_420, %masked_sort3A_421, %masked_sort3A_422 = tpu.sort %select_n3A_415, %select_n3A_418 masked %masked_sort3A_419 {descending = true} : (vector<16xf32>, vector<16xi32>, vector<16xi1>) -> (vector<16xi1>, vector<16xf32>, vector<16xi32>)
        %rev3A = arith.constant 15 : i32
        %rev3A_423 = vector.broadcast %rev3A : i32 to vector<16xi32>
        %rev3A_424 = tpu.iota {dimensions = array<i32: 0>} : vector<16xi32>
        %rev3A_425 = arith.subi %rev3A_423, %rev3A_424 : vector<16xi32>
        %rev3A_426 = tpu.dynamic_gather %masked_sort3A_421[%rev3A_425] in [0] : vector<16xf32>, vector<16xi32> -> vector<16xf32>
        %rev3A_427 = arith.constant 15 : i32
        %rev3A_428 = vector.broadcast %rev3A_427 : i32 to vector<16xi32>
        %rev3A_429 = tpu.iota {dimensions = array<i32: 0>} : vector<16xi32>
        %rev3A_430 = arith.subi %rev3A_428, %rev3A_429 : vector<16xi32>
        %rev3A_431 = tpu.dynamic_gather %masked_sort3A_422[%rev3A_430] in [0] : vector<16xi32>, vector<16xi32> -> vector<16xi32>
        %select_n3A_432 = arith.select %lt3A_14, %while3A_118, %rev3A_426 : vector<16xi1>, vector<16xf32>
        %select_n3A_433 = arith.select %lt3A_14, %while3A_119, %rev3A_431 : vector<16xi1>, vector<16xi32>
        %masked_sort3A_434 = arith.constant dense<true> : vector<16xi1>
        %masked_sort3A_435, %masked_sort3A_436, %masked_sort3A_437 = tpu.sort %select_n3A_432, %select_n3A_433 masked %masked_sort3A_434 {descending = true} : (vector<16xf32>, vector<16xi32>, vector<16xi1>) -> (vector<16xi1>, vector<16xf32>, vector<16xi32>)
        %while3A_438 = arith.constant 1 : i32
        %while3A_439 = arith.subi %select_n3A_408, %while3A_438 : i32
        %while3A_440 = arith.addi %while3A_438, %while3A_439 : i32
        %while3A_441 = arith.constant 1 : i32
        %while3A_442 = arith.divsi %while3A_439, %while3A_441 : i32
        %while3A_443 = arith.muli %while3A_442, %while3A_441 : i32
        %while3A_444 = arith.addi %while3A_438, %while3A_443 : i32
        %while3A_445 = arith.constant 1 : i32
        %while3A_446:2 = scf.for %while3A_459 = %while3A_438 to %while3A_444 step %while3A_445 iter_args(%while3A_460 = %masked_sort3A_436, %while3A_461 = %masked_sort3A_437) -> (vector<16xf32>, vector<16xi32>)  : i32 {
          %mul3A_462 = arith.constant 16 : i32
          %mul3A_463 = arith.muli %while3A_459, %mul3A_462 : i32
          %add3A_464 = arith.addi %while3A_117, %mul3A_463 : i32
          %add3A_465 = arith.addi %add3A_464, %sub3A_155 : i32
          %get3A_466 = arith.index_cast %add3A_465 : i32 to index
          %get3A_467 = tpu.vector_load %arg7[%get3A_466] {strides = array<i32>} : memref<16416xf32, #tpu.memory_space<vmem>>, vector<16xf32>,
          %sub3A_468 = arith.subi %min3A_380, %add3A_464 : i32
          %lt3A_469 = vector.broadcast %sub3A_468 : i32 to vector<16xi32>
          %lt3A_470 = arith.cmpi slt, %iota3A, %lt3A_469 : vector<16xi32>
          %select_n3A_471 = arith.select %lt3A_470, %get3A_467, %broadcast_in_dim3A_15 : vector<16xi1>, vector<16xf32>
          %add3A_472 = vector.broadcast %add3A_464 : i32 to vector<16xi32>
          %add3A_473 = arith.addi %add3A_472, %iota3A : vector<16xi32>
          %select_n3A_474 = arith.select %lt3A_470, %add3A_473, %broadcast_in_dim3A_17 : vector<16xi1>, vector<16xi32>
          %masked_sort3A_475 = arith.constant dense<true> : vector<16xi1>
          %masked_sort3A_476, %masked_sort3A_477, %masked_sort3A_478 = tpu.sort %select_n3A_471, %select_n3A_474 masked %masked_sort3A_475 {descending = true} : (vector<16xf32>, vector<16xi32>, vector<16xi1>) -> (vector<16xi1>, vector<16xf32>, vector<16xi32>)
          %rev3A_479 = arith.constant 15 : i32
          %rev3A_480 = vector.broadcast %rev3A_479 : i32 to vector<16xi32>
          %rev3A_481 = tpu.iota {dimensions = array<i32: 0>} : vector<16xi32>
          %rev3A_482 = arith.subi %rev3A_480, %rev3A_481 : vector<16xi32>
          %rev3A_483 = tpu.dynamic_gather %masked_sort3A_477[%rev3A_482] in [0] : vector<16xf32>, vector<16xi32> -> vector<16xf32>
          %rev3A_484 = arith.constant 15 : i32
          %rev3A_485 = vector.broadcast %rev3A_484 : i32 to vector<16xi32>
          %rev3A_486 = tpu.iota {dimensions = array<i32: 0>} : vector<16xi32>
          %rev3A_487 = arith.subi %rev3A_485, %rev3A_486 : vector<16xi32>
          %rev3A_488 = tpu.dynamic_gather %masked_sort3A_478[%rev3A_487] in [0] : vector<16xi32>, vector<16xi32> -> vector<16xi32>
          %select_n3A_489 = arith.select %lt3A_14, %while3A_460, %rev3A_483 : vector<16xi1>, vector<16xf32>
          %select_n3A_490 = arith.select %lt3A_14, %while3A_461, %rev3A_488 : vector<16xi1>, vector<16xi32>
          %masked_sort3A_491 = arith.constant dense<true> : vector<16xi1>
          %masked_sort3A_492, %masked_sort3A_493, %masked_sort3A_494 = tpu.sort %select_n3A_489, %select_n3A_490 masked %masked_sort3A_491 {descending = true} : (vector<16xf32>, vector<16xi32>, vector<16xi1>) -> (vector<16xi1>, vector<16xf32>, vector<16xi32>)
          scf.yield %masked_sort3A_493, %masked_sort3A_494 : vector<16xf32>, vector<16xi32>
        }
        %while3A_447 = arith.constant 1 : i32
        %while3A_448:2 = scf.for %while3A_459 = %while3A_444 to %while3A_440 step %while3A_447 iter_args(%while3A_460 = %while3A_446#0, %while3A_461 = %while3A_446#1) -> (vector<16xf32>, vector<16xi32>)  : i32 {
          %mul3A_462 = arith.constant 16 : i32
          %mul3A_463 = arith.muli %while3A_459, %mul3A_462 : i32
          %add3A_464 = arith.addi %while3A_117, %mul3A_463 : i32
          %add3A_465 = arith.addi %add3A_464, %sub3A_155 : i32
          %get3A_466 = arith.index_cast %add3A_465 : i32 to index
          %get3A_467 = tpu.vector_load %arg7[%get3A_466] {strides = array<i32>} : memref<16416xf32, #tpu.memory_space<vmem>>, vector<16xf32>,
          %sub3A_468 = arith.subi %min3A_380, %add3A_464 : i32
          %lt3A_469 = vector.broadcast %sub3A_468 : i32 to vector<16xi32>
          %lt3A_470 = arith.cmpi slt, %iota3A, %lt3A_469 : vector<16xi32>
          %select_n3A_471 = arith.select %lt3A_470, %get3A_467, %broadcast_in_dim3A_15 : vector<16xi1>, vector<16xf32>
          %add3A_472 = vector.broadcast %add3A_464 : i32 to vector<16xi32>
          %add3A_473 = arith.addi %add3A_472, %iota3A : vector<16xi32>
          %select_n3A_474 = arith.select %lt3A_470, %add3A_473, %broadcast_in_dim3A_17 : vector<16xi1>, vector<16xi32>
          %masked_sort3A_475 = arith.constant dense<true> : vector<16xi1>
          %masked_sort3A_476, %masked_sort3A_477, %masked_sort3A_478 = tpu.sort %select_n3A_471, %select_n3A_474 masked %masked_sort3A_475 {descending = true} : (vector<16xf32>, vector<16xi32>, vector<16xi1>) -> (vector<16xi1>, vector<16xf32>, vector<16xi32>)
          %rev3A_479 = arith.constant 15 : i32
          %rev3A_480 = vector.broadcast %rev3A_479 : i32 to vector<16xi32>
          %rev3A_481 = tpu.iota {dimensions = array<i32: 0>} : vector<16xi32>
          %rev3A_482 = arith.subi %rev3A_480, %rev3A_481 : vector<16xi32>
          %rev3A_483 = tpu.dynamic_gather %masked_sort3A_477[%rev3A_482] in [0] : vector<16xf32>, vector<16xi32> -> vector<16xf32>
          %rev3A_484 = arith.constant 15 : i32
          %rev3A_485 = vector.broadcast %rev3A_484 : i32 to vector<16xi32>
          %rev3A_486 = tpu.iota {dimensions = array<i32: 0>} : vector<16xi32>
          %rev3A_487 = arith.subi %rev3A_485, %rev3A_486 : vector<16xi32>
          %rev3A_488 = tpu.dynamic_gather %masked_sort3A_478[%rev3A_487] in [0] : vector<16xi32>, vector<16xi32> -> vector<16xi32>
          %select_n3A_489 = arith.select %lt3A_14, %while3A_460, %rev3A_483 : vector<16xi1>, vector<16xf32>
          %select_n3A_490 = arith.select %lt3A_14, %while3A_461, %rev3A_488 : vector<16xi1>, vector<16xi32>
          %masked_sort3A_491 = arith.constant dense<true> : vector<16xi1>
          %masked_sort3A_492, %masked_sort3A_493, %masked_sort3A_494 = tpu.sort %select_n3A_489, %select_n3A_490 masked %masked_sort3A_491 {descending = true} : (vector<16xf32>, vector<16xi32>, vector<16xi1>) -> (vector<16xi1>, vector<16xf32>, vector<16xi32>)
          scf.yield %masked_sort3A_493, %masked_sort3A_494 : vector<16xf32>, vector<16xi32>
        }
        %le3A_449 = arith.cmpi sle, %squeeze3A_379, %add3A_154 : i32
        %and3A_450 = vector.broadcast %le3A_449 : i1 to vector<16xi1>
        %and3A_451 = arith.andi %and3A_450, %lt3A_14 : vector<16xi1>
        %broadcast_in_dim3A_452 = vector.broadcast %while3A_116 : i32 to vector<16xi32>
        tpu.vector_store_idx %arg8[%iota3A, %broadcast_in_dim3A_452], %while3A_448#0 masked %and3A_451 : memref<8x1664xf32, #tpu.memory_space<vmem>>[vector<16xi32>, vector<16xi32>], vector<16xf32>, vector<16xi1>
        tpu.vector_store_idx %arg9[%iota3A, %broadcast_in_dim3A_452], %while3A_448#1 masked %and3A_451 : memref<8x1664xi32, #tpu.memory_space<vmem>>[vector<16xi32>, vector<16xi32>], vector<16xi32>, vector<16xi1>
        %and3A_453 = vector.broadcast %le3A_449 : i1 to vector<16xi1>
        %and3A_454 = arith.andi %and3A_453, %broadcast_in_dim3A_19 : vector<16xi1>
        %select_n3A_455 = arith.select %and3A_454, %broadcast_in_dim3A_15, %while3A_448#0 : vector<16xi1>, vector<16xf32>
        %select_n3A_456 = arith.select %and3A_454, %broadcast_in_dim3A_17, %while3A_448#1 : vector<16xi1>, vector<16xi32>
        %convert_element_type3A_457 = arith.extui %le3A_449 : i1 to i32
        %add3A_458 = arith.addi %while3A_116, %convert_element_type3A_457 : i32
        scf.yield %add3A_458, %min3A_380, %select_n3A_455, %select_n3A_456, %le3A_449 : i32, i32, vector<16xf32>, vector<16xi32>, i1
      }
      %while3A_304 = arith.subi %select_n3A_299, %cond3A_303#0 : i32
      %while3A_305 = arith.addi %cond3A_303#0, %while3A_304 : i32
      %while3A_306 = arith.constant 1 : i32
      %while3A_307 = arith.divsi %while3A_304, %while3A_306 : i32
      %while3A_308 = arith.muli %while3A_307, %while3A_306 : i32
      %while3A_309 = arith.addi %cond3A_303#0, %while3A_308 : i32
      %while3A_310 = arith.constant 1 : i32
      %while3A_311 = scf.for %while3A_374 = %cond3A_303#0 to %while3A_309 step %while3A_310 iter_args(%while3A_375 = %cond3A_303#1) -> (i32)  : i32 {
        %add3A_376 = arith.constant 1 : i32
        %add3A_377 = arith.addi %while3A_374, %add3A_376 : i32
        %get3A_378 = arith.index_cast %add3A_377 : i32 to index
        %get3A_379 = tpu.vector_load %arg6[%get3A_378] {strides = array<i32>} : memref<1688xi32, #tpu.memory_space<vmem>>, vector<16xi32>,
        %slice3A_380 = vector.extract_strided_slice %get3A_379 {offsets = [0], sizes = [1], strides = [1]} : vector<16xi32> to vector<1xi32>
        %squeeze3A_381 = vector.extract %slice3A_380[0] : i32 from vector<1xi32>
        %sub3A_382 = arith.subi %squeeze3A_381, %while3A_375 : i32
        %add3A_383 = arith.constant 15 : i32
        %add3A_384 = arith.addi %sub3A_382, %add3A_383 : i32
        %jit3A_385 = arith.constant 16 : i64
        %convert_element_type3A_386 = arith.trunci %jit3A_385 : i64 to i32
        %div3A_387 = arith.divsi %add3A_384, %convert_element_type3A_386 : i32
        %sign3A_388 = arith.constant 0 : i32
        %sign3A_389 = arith.cmpi sgt, %add3A_384, %sign3A_388 : i32
        %sign3A_390 = arith.extui %sign3A_389 : i1 to i32
        %sign3A_391 = arith.constant 0 : i32
        %sign3A_392 = arith.cmpi slt, %add3A_384, %sign3A_391 : i32
        %sign3A_393 = arith.extui %sign3A_392 : i1 to i32
        %sign3A_394 = arith.subi %sign3A_390, %sign3A_393 : i32
        %sign3A_395 = arith.constant 0 : i32
        %sign3A_396 = arith.cmpi sgt, %convert_element_type3A_386, %sign3A_395 : i32
        %sign3A_397 = arith.extui %sign3A_396 : i1 to i32
        %sign3A_398 = arith.constant 0 : i32
        %sign3A_399 = arith.cmpi slt, %convert_element_type3A_386, %sign3A_398 : i32
        %sign3A_400 = arith.extui %sign3A_399 : i1 to i32
        %sign3A_401 = arith.subi %sign3A_397, %sign3A_400 : i32
        %ne3A_402 = arith.cmpi ne, %sign3A_394, %sign3A_401 : i32
        %rem3A_403 = arith.remsi %add3A_384, %convert_element_type3A_386 : i32
        %ne3A_404 = arith.constant 0 : i32
        %ne3A_405 = arith.cmpi ne, %rem3A_403, %ne3A_404 : i32
        %and3A_406 = arith.andi %ne3A_402, %ne3A_405 : i1
        %sub3A_407 = arith.constant 1 : i32
        %sub3A_408 = arith.subi %div3A_387, %sub3A_407 : i32
        %select_n3A_409 = arith.select %and3A_406, %sub3A_408, %div3A_387 : i32
        %add3A_410 = arith.addi %while3A_375, %sub3A_155 : i32
        %get3A_411 = arith.index_cast %add3A_410 : i32 to index
        %get3A_412 = tpu.vector_load %arg7[%get3A_411] {strides = array<i32>} : memref<16416xf32, #tpu.memory_space<vmem>>, vector<16xf32>,
        %sub3A_413 = arith.subi %squeeze3A_381, %while3A_375 : i32
        %lt3A_414 = vector.broadcast %sub3A_413 : i32 to vector<16xi32>
        %lt3A_415 = arith.cmpi slt, %iota3A, %lt3A_414 : vector<16xi32>
        %select_n3A_416 = arith.select %lt3A_415, %get3A_412, %broadcast_in_dim3A_15 : vector<16xi1>, vector<16xf32>
        %add3A_417 = vector.broadcast %while3A_375 : i32 to vector<16xi32>
        %add3A_418 = arith.addi %add3A_417, %iota3A : vector<16xi32>
        %select_n3A_419 = arith.select %lt3A_415, %add3A_418, %broadcast_in_dim3A_17 : vector<16xi1>, vector<16xi32>
        %masked_sort3A_420 = arith.constant dense<true> : vector<16xi1>
        %masked_sort3A_421, %masked_sort3A_422, %masked_sort3A_423 = tpu.sort %select_n3A_416, %select_n3A_419 masked %masked_sort3A_420 {descending = true} : (vector<16xf32>, vector<16xi32>, vector<16xi1>) -> (vector<16xi1>, vector<16xf32>, vector<16xi32>)
        %while3A_424 = arith.constant 1 : i32
        %while3A_425 = arith.subi %select_n3A_409, %while3A_424 : i32
        %while3A_426 = arith.addi %while3A_424, %while3A_425 : i32
        %while3A_427 = arith.constant 1 : i32
        %while3A_428 = arith.divsi %while3A_425, %while3A_427 : i32
        %while3A_429 = arith.muli %while3A_428, %while3A_427 : i32
        %while3A_430 = arith.addi %while3A_424, %while3A_429 : i32
        %while3A_431 = arith.constant 1 : i32
        %while3A_432:2 = scf.for %while3A_436 = %while3A_424 to %while3A_430 step %while3A_431 iter_args(%while3A_437 = %masked_sort3A_422, %while3A_438 = %masked_sort3A_423) -> (vector<16xf32>, vector<16xi32>)  : i32 {
          %mul3A_439 = arith.constant 16 : i32
          %mul3A_440 = arith.muli %while3A_436, %mul3A_439 : i32
          %add3A_441 = arith.addi %while3A_375, %mul3A_440 : i32
          %add3A_442 = arith.addi %add3A_441, %sub3A_155 : i32
          %get3A_443 = arith.index_cast %add3A_442 : i32 to index
          %get3A_444 = tpu.vector_load %arg7[%get3A_443] {strides = array<i32>} : memref<16416xf32, #tpu.memory_space<vmem>>, vector<16xf32>,
          %sub3A_445 = arith.subi %squeeze3A_381, %add3A_441 : i32
          %lt3A_446 = vector.broadcast %sub3A_445 : i32 to vector<16xi32>
          %lt3A_447 = arith.cmpi slt, %iota3A, %lt3A_446 : vector<16xi32>
          %select_n3A_448 = arith.select %lt3A_447, %get3A_444, %broadcast_in_dim3A_15 : vector<16xi1>, vector<16xf32>
          %add3A_449 = vector.broadcast %add3A_441 : i32 to vector<16xi32>
          %add3A_450 = arith.addi %add3A_449, %iota3A : vector<16xi32>
          %select_n3A_451 = arith.select %lt3A_447, %add3A_450, %broadcast_in_dim3A_17 : vector<16xi1>, vector<16xi32>
          %masked_sort3A_452 = arith.constant dense<true> : vector<16xi1>
          %masked_sort3A_453, %masked_sort3A_454, %masked_sort3A_455 = tpu.sort %select_n3A_448, %select_n3A_451 masked %masked_sort3A_452 {descending = true} : (vector<16xf32>, vector<16xi32>, vector<16xi1>) -> (vector<16xi1>, vector<16xf32>, vector<16xi32>)
          %rev3A = arith.constant 15 : i32
          %rev3A_456 = vector.broadcast %rev3A : i32 to vector<16xi32>
          %rev3A_457 = tpu.iota {dimensions = array<i32: 0>} : vector<16xi32>
          %rev3A_458 = arith.subi %rev3A_456, %rev3A_457 : vector<16xi32>
          %rev3A_459 = tpu.dynamic_gather %masked_sort3A_454[%rev3A_458] in [0] : vector<16xf32>, vector<16xi32> -> vector<16xf32>
          %rev3A_460 = arith.constant 15 : i32
          %rev3A_461 = vector.broadcast %rev3A_460 : i32 to vector<16xi32>
          %rev3A_462 = tpu.iota {dimensions = array<i32: 0>} : vector<16xi32>
          %rev3A_463 = arith.subi %rev3A_461, %rev3A_462 : vector<16xi32>
          %rev3A_464 = tpu.dynamic_gather %masked_sort3A_455[%rev3A_463] in [0] : vector<16xi32>, vector<16xi32> -> vector<16xi32>
          %select_n3A_465 = arith.select %lt3A_14, %while3A_437, %rev3A_459 : vector<16xi1>, vector<16xf32>
          %select_n3A_466 = arith.select %lt3A_14, %while3A_438, %rev3A_464 : vector<16xi1>, vector<16xi32>
          %masked_sort3A_467 = arith.constant dense<true> : vector<16xi1>
          %masked_sort3A_468, %masked_sort3A_469, %masked_sort3A_470 = tpu.sort %select_n3A_465, %select_n3A_466 masked %masked_sort3A_467 {descending = true} : (vector<16xf32>, vector<16xi32>, vector<16xi1>) -> (vector<16xi1>, vector<16xf32>, vector<16xi32>)
          scf.yield %masked_sort3A_469, %masked_sort3A_470 : vector<16xf32>, vector<16xi32>
        }
        %while3A_433 = arith.constant 1 : i32
        %while3A_434:2 = scf.for %while3A_436 = %while3A_430 to %while3A_426 step %while3A_433 iter_args(%while3A_437 = %while3A_432#0, %while3A_438 = %while3A_432#1) -> (vector<16xf32>, vector<16xi32>)  : i32 {
          %mul3A_439 = arith.constant 16 : i32
          %mul3A_440 = arith.muli %while3A_436, %mul3A_439 : i32
          %add3A_441 = arith.addi %while3A_375, %mul3A_440 : i32
          %add3A_442 = arith.addi %add3A_441, %sub3A_155 : i32
          %get3A_443 = arith.index_cast %add3A_442 : i32 to index
          %get3A_444 = tpu.vector_load %arg7[%get3A_443] {strides = array<i32>} : memref<16416xf32, #tpu.memory_space<vmem>>, vector<16xf32>,
          %sub3A_445 = arith.subi %squeeze3A_381, %add3A_441 : i32
          %lt3A_446 = vector.broadcast %sub3A_445 : i32 to vector<16xi32>
          %lt3A_447 = arith.cmpi slt, %iota3A, %lt3A_446 : vector<16xi32>
          %select_n3A_448 = arith.select %lt3A_447, %get3A_444, %broadcast_in_dim3A_15 : vector<16xi1>, vector<16xf32>
          %add3A_449 = vector.broadcast %add3A_441 : i32 to vector<16xi32>
          %add3A_450 = arith.addi %add3A_449, %iota3A : vector<16xi32>
          %select_n3A_451 = arith.select %lt3A_447, %add3A_450, %broadcast_in_dim3A_17 : vector<16xi1>, vector<16xi32>
          %masked_sort3A_452 = arith.constant dense<true> : vector<16xi1>
          %masked_sort3A_453, %masked_sort3A_454, %masked_sort3A_455 = tpu.sort %select_n3A_448, %select_n3A_451 masked %masked_sort3A_452 {descending = true} : (vector<16xf32>, vector<16xi32>, vector<16xi1>) -> (vector<16xi1>, vector<16xf32>, vector<16xi32>)
          %rev3A = arith.constant 15 : i32
          %rev3A_456 = vector.broadcast %rev3A : i32 to vector<16xi32>
          %rev3A_457 = tpu.iota {dimensions = array<i32: 0>} : vector<16xi32>
          %rev3A_458 = arith.subi %rev3A_456, %rev3A_457 : vector<16xi32>
          %rev3A_459 = tpu.dynamic_gather %masked_sort3A_454[%rev3A_458] in [0] : vector<16xf32>, vector<16xi32> -> vector<16xf32>
          %rev3A_460 = arith.constant 15 : i32
          %rev3A_461 = vector.broadcast %rev3A_460 : i32 to vector<16xi32>
          %rev3A_462 = tpu.iota {dimensions = array<i32: 0>} : vector<16xi32>
          %rev3A_463 = arith.subi %rev3A_461, %rev3A_462 : vector<16xi32>
          %rev3A_464 = tpu.dynamic_gather %masked_sort3A_455[%rev3A_463] in [0] : vector<16xi32>, vector<16xi32> -> vector<16xi32>
          %select_n3A_465 = arith.select %lt3A_14, %while3A_437, %rev3A_459 : vector<16xi1>, vector<16xf32>
          %select_n3A_466 = arith.select %lt3A_14, %while3A_438, %rev3A_464 : vector<16xi1>, vector<16xi32>
          %masked_sort3A_467 = arith.constant dense<true> : vector<16xi1>
          %masked_sort3A_468, %masked_sort3A_469, %masked_sort3A_470 = tpu.sort %select_n3A_465, %select_n3A_466 masked %masked_sort3A_467 {descending = true} : (vector<16xf32>, vector<16xi32>, vector<16xi1>) -> (vector<16xi1>, vector<16xf32>, vector<16xi32>)
          scf.yield %masked_sort3A_469, %masked_sort3A_470 : vector<16xf32>, vector<16xi32>
        }
        %broadcast_in_dim3A_435 = vector.broadcast %while3A_374 : i32 to vector<16xi32>
        tpu.vector_store_idx %arg8[%iota3A, %broadcast_in_dim3A_435], %while3A_434#0 masked %lt3A_14 : memref<8x1664xf32, #tpu.memory_space<vmem>>[vector<16xi32>, vector<16xi32>], vector<16xf32>, vector<16xi1>
        tpu.vector_store_idx %arg9[%iota3A, %broadcast_in_dim3A_435], %while3A_434#1 masked %lt3A_14 : memref<8x1664xi32, #tpu.memory_space<vmem>>[vector<16xi32>, vector<16xi32>], vector<16xi32>, vector<16xi1>
        scf.yield %squeeze3A_381 : i32
      }
      %while3A_312 = arith.constant 1 : i32
      %while3A_313 = scf.for %while3A_374 = %while3A_309 to %while3A_305 step %while3A_312 iter_args(%while3A_375 = %while3A_311) -> (i32)  : i32 {
        %add3A_376 = arith.constant 1 : i32
        %add3A_377 = arith.addi %while3A_374, %add3A_376 : i32
        %get3A_378 = arith.index_cast %add3A_377 : i32 to index
        %get3A_379 = tpu.vector_load %arg6[%get3A_378] {strides = array<i32>} : memref<1688xi32, #tpu.memory_space<vmem>>, vector<16xi32>,
        %slice3A_380 = vector.extract_strided_slice %get3A_379 {offsets = [0], sizes = [1], strides = [1]} : vector<16xi32> to vector<1xi32>
        %squeeze3A_381 = vector.extract %slice3A_380[0] : i32 from vector<1xi32>
        %sub3A_382 = arith.subi %squeeze3A_381, %while3A_375 : i32
        %add3A_383 = arith.constant 15 : i32
        %add3A_384 = arith.addi %sub3A_382, %add3A_383 : i32
        %jit3A_385 = arith.constant 16 : i64
        %convert_element_type3A_386 = arith.trunci %jit3A_385 : i64 to i32
        %div3A_387 = arith.divsi %add3A_384, %convert_element_type3A_386 : i32
        %sign3A_388 = arith.constant 0 : i32
        %sign3A_389 = arith.cmpi sgt, %add3A_384, %sign3A_388 : i32
        %sign3A_390 = arith.extui %sign3A_389 : i1 to i32
        %sign3A_391 = arith.constant 0 : i32
        %sign3A_392 = arith.cmpi slt, %add3A_384, %sign3A_391 : i32
        %sign3A_393 = arith.extui %sign3A_392 : i1 to i32
        %sign3A_394 = arith.subi %sign3A_390, %sign3A_393 : i32
        %sign3A_395 = arith.constant 0 : i32
        %sign3A_396 = arith.cmpi sgt, %convert_element_type3A_386, %sign3A_395 : i32
        %sign3A_397 = arith.extui %sign3A_396 : i1 to i32
        %sign3A_398 = arith.constant 0 : i32
        %sign3A_399 = arith.cmpi slt, %convert_element_type3A_386, %sign3A_398 : i32
        %sign3A_400 = arith.extui %sign3A_399 : i1 to i32
        %sign3A_401 = arith.subi %sign3A_397, %sign3A_400 : i32
        %ne3A_402 = arith.cmpi ne, %sign3A_394, %sign3A_401 : i32
        %rem3A_403 = arith.remsi %add3A_384, %convert_element_type3A_386 : i32
        %ne3A_404 = arith.constant 0 : i32
        %ne3A_405 = arith.cmpi ne, %rem3A_403, %ne3A_404 : i32
        %and3A_406 = arith.andi %ne3A_402, %ne3A_405 : i1
        %sub3A_407 = arith.constant 1 : i32
        %sub3A_408 = arith.subi %div3A_387, %sub3A_407 : i32
        %select_n3A_409 = arith.select %and3A_406, %sub3A_408, %div3A_387 : i32
        %add3A_410 = arith.addi %while3A_375, %sub3A_155 : i32
        %get3A_411 = arith.index_cast %add3A_410 : i32 to index
        %get3A_412 = tpu.vector_load %arg7[%get3A_411] {strides = array<i32>} : memref<16416xf32, #tpu.memory_space<vmem>>, vector<16xf32>,
        %sub3A_413 = arith.subi %squeeze3A_381, %while3A_375 : i32
        %lt3A_414 = vector.broadcast %sub3A_413 : i32 to vector<16xi32>
        %lt3A_415 = arith.cmpi slt, %iota3A, %lt3A_414 : vector<16xi32>
        %select_n3A_416 = arith.select %lt3A_415, %get3A_412, %broadcast_in_dim3A_15 : vector<16xi1>, vector<16xf32>
        %add3A_417 = vector.broadcast %while3A_375 : i32 to vector<16xi32>
        %add3A_418 = arith.addi %add3A_417, %iota3A : vector<16xi32>
        %select_n3A_419 = arith.select %lt3A_415, %add3A_418, %broadcast_in_dim3A_17 : vector<16xi1>, vector<16xi32>
        %masked_sort3A_420 = arith.constant dense<true> : vector<16xi1>
        %masked_sort3A_421, %masked_sort3A_422, %masked_sort3A_423 = tpu.sort %select_n3A_416, %select_n3A_419 masked %masked_sort3A_420 {descending = true} : (vector<16xf32>, vector<16xi32>, vector<16xi1>) -> (vector<16xi1>, vector<16xf32>, vector<16xi32>)
        %while3A_424 = arith.constant 1 : i32
        %while3A_425 = arith.subi %select_n3A_409, %while3A_424 : i32
        %while3A_426 = arith.addi %while3A_424, %while3A_425 : i32
        %while3A_427 = arith.constant 1 : i32
        %while3A_428 = arith.divsi %while3A_425, %while3A_427 : i32
        %while3A_429 = arith.muli %while3A_428, %while3A_427 : i32
        %while3A_430 = arith.addi %while3A_424, %while3A_429 : i32
        %while3A_431 = arith.constant 1 : i32
        %while3A_432:2 = scf.for %while3A_436 = %while3A_424 to %while3A_430 step %while3A_431 iter_args(%while3A_437 = %masked_sort3A_422, %while3A_438 = %masked_sort3A_423) -> (vector<16xf32>, vector<16xi32>)  : i32 {
          %mul3A_439 = arith.constant 16 : i32
          %mul3A_440 = arith.muli %while3A_436, %mul3A_439 : i32
          %add3A_441 = arith.addi %while3A_375, %mul3A_440 : i32
          %add3A_442 = arith.addi %add3A_441, %sub3A_155 : i32
          %get3A_443 = arith.index_cast %add3A_442 : i32 to index
          %get3A_444 = tpu.vector_load %arg7[%get3A_443] {strides = array<i32>} : memref<16416xf32, #tpu.memory_space<vmem>>, vector<16xf32>,
          %sub3A_445 = arith.subi %squeeze3A_381, %add3A_441 : i32
          %lt3A_446 = vector.broadcast %sub3A_445 : i32 to vector<16xi32>
          %lt3A_447 = arith.cmpi slt, %iota3A, %lt3A_446 : vector<16xi32>
          %select_n3A_448 = arith.select %lt3A_447, %get3A_444, %broadcast_in_dim3A_15 : vector<16xi1>, vector<16xf32>
          %add3A_449 = vector.broadcast %add3A_441 : i32 to vector<16xi32>
          %add3A_450 = arith.addi %add3A_449, %iota3A : vector<16xi32>
          %select_n3A_451 = arith.select %lt3A_447, %add3A_450, %broadcast_in_dim3A_17 : vector<16xi1>, vector<16xi32>
          %masked_sort3A_452 = arith.constant dense<true> : vector<16xi1>
          %masked_sort3A_453, %masked_sort3A_454, %masked_sort3A_455 = tpu.sort %select_n3A_448, %select_n3A_451 masked %masked_sort3A_452 {descending = true} : (vector<16xf32>, vector<16xi32>, vector<16xi1>) -> (vector<16xi1>, vector<16xf32>, vector<16xi32>)
          %rev3A = arith.constant 15 : i32
          %rev3A_456 = vector.broadcast %rev3A : i32 to vector<16xi32>
          %rev3A_457 = tpu.iota {dimensions = array<i32: 0>} : vector<16xi32>
          %rev3A_458 = arith.subi %rev3A_456, %rev3A_457 : vector<16xi32>
          %rev3A_459 = tpu.dynamic_gather %masked_sort3A_454[%rev3A_458] in [0] : vector<16xf32>, vector<16xi32> -> vector<16xf32>
          %rev3A_460 = arith.constant 15 : i32
          %rev3A_461 = vector.broadcast %rev3A_460 : i32 to vector<16xi32>
          %rev3A_462 = tpu.iota {dimensions = array<i32: 0>} : vector<16xi32>
          %rev3A_463 = arith.subi %rev3A_461, %rev3A_462 : vector<16xi32>
          %rev3A_464 = tpu.dynamic_gather %masked_sort3A_455[%rev3A_463] in [0] : vector<16xi32>, vector<16xi32> -> vector<16xi32>
          %select_n3A_465 = arith.select %lt3A_14, %while3A_437, %rev3A_459 : vector<16xi1>, vector<16xf32>
          %select_n3A_466 = arith.select %lt3A_14, %while3A_438, %rev3A_464 : vector<16xi1>, vector<16xi32>
          %masked_sort3A_467 = arith.constant dense<true> : vector<16xi1>
          %masked_sort3A_468, %masked_sort3A_469, %masked_sort3A_470 = tpu.sort %select_n3A_465, %select_n3A_466 masked %masked_sort3A_467 {descending = true} : (vector<16xf32>, vector<16xi32>, vector<16xi1>) -> (vector<16xi1>, vector<16xf32>, vector<16xi32>)
          scf.yield %masked_sort3A_469, %masked_sort3A_470 : vector<16xf32>, vector<16xi32>
        }
        %while3A_433 = arith.constant 1 : i32
        %while3A_434:2 = scf.for %while3A_436 = %while3A_430 to %while3A_426 step %while3A_433 iter_args(%while3A_437 = %while3A_432#0, %while3A_438 = %while3A_432#1) -> (vector<16xf32>, vector<16xi32>)  : i32 {
          %mul3A_439 = arith.constant 16 : i32
          %mul3A_440 = arith.muli %while3A_436, %mul3A_439 : i32
          %add3A_441 = arith.addi %while3A_375, %mul3A_440 : i32
          %add3A_442 = arith.addi %add3A_441, %sub3A_155 : i32
          %get3A_443 = arith.index_cast %add3A_442 : i32 to index
          %get3A_444 = tpu.vector_load %arg7[%get3A_443] {strides = array<i32>} : memref<16416xf32, #tpu.memory_space<vmem>>, vector<16xf32>,
          %sub3A_445 = arith.subi %squeeze3A_381, %add3A_441 : i32
          %lt3A_446 = vector.broadcast %sub3A_445 : i32 to vector<16xi32>
          %lt3A_447 = arith.cmpi slt, %iota3A, %lt3A_446 : vector<16xi32>
          %select_n3A_448 = arith.select %lt3A_447, %get3A_444, %broadcast_in_dim3A_15 : vector<16xi1>, vector<16xf32>
          %add3A_449 = vector.broadcast %add3A_441 : i32 to vector<16xi32>
          %add3A_450 = arith.addi %add3A_449, %iota3A : vector<16xi32>
          %select_n3A_451 = arith.select %lt3A_447, %add3A_450, %broadcast_in_dim3A_17 : vector<16xi1>, vector<16xi32>
          %masked_sort3A_452 = arith.constant dense<true> : vector<16xi1>
          %masked_sort3A_453, %masked_sort3A_454, %masked_sort3A_455 = tpu.sort %select_n3A_448, %select_n3A_451 masked %masked_sort3A_452 {descending = true} : (vector<16xf32>, vector<16xi32>, vector<16xi1>) -> (vector<16xi1>, vector<16xf32>, vector<16xi32>)
          %rev3A = arith.constant 15 : i32
          %rev3A_456 = vector.broadcast %rev3A : i32 to vector<16xi32>
          %rev3A_457 = tpu.iota {dimensions = array<i32: 0>} : vector<16xi32>
          %rev3A_458 = arith.subi %rev3A_456, %rev3A_457 : vector<16xi32>
          %rev3A_459 = tpu.dynamic_gather %masked_sort3A_454[%rev3A_458] in [0] : vector<16xf32>, vector<16xi32> -> vector<16xf32>
          %rev3A_460 = arith.constant 15 : i32
          %rev3A_461 = vector.broadcast %rev3A_460 : i32 to vector<16xi32>
          %rev3A_462 = tpu.iota {dimensions = array<i32: 0>} : vector<16xi32>
          %rev3A_463 = arith.subi %rev3A_461, %rev3A_462 : vector<16xi32>
          %rev3A_464 = tpu.dynamic_gather %masked_sort3A_455[%rev3A_463] in [0] : vector<16xi32>, vector<16xi32> -> vector<16xi32>
          %select_n3A_465 = arith.select %lt3A_14, %while3A_437, %rev3A_459 : vector<16xi1>, vector<16xf32>
          %select_n3A_466 = arith.select %lt3A_14, %while3A_438, %rev3A_464 : vector<16xi1>, vector<16xi32>
          %masked_sort3A_467 = arith.constant dense<true> : vector<16xi1>
          %masked_sort3A_468, %masked_sort3A_469, %masked_sort3A_470 = tpu.sort %select_n3A_465, %select_n3A_466 masked %masked_sort3A_467 {descending = true} : (vector<16xf32>, vector<16xi32>, vector<16xi1>) -> (vector<16xi1>, vector<16xf32>, vector<16xi32>)
          scf.yield %masked_sort3A_469, %masked_sort3A_470 : vector<16xf32>, vector<16xi32>
        }
        %broadcast_in_dim3A_435 = vector.broadcast %while3A_374 : i32 to vector<16xi32>
        tpu.vector_store_idx %arg8[%iota3A, %broadcast_in_dim3A_435], %while3A_434#0 masked %lt3A_14 : memref<8x1664xf32, #tpu.memory_space<vmem>>[vector<16xi32>, vector<16xi32>], vector<16xf32>, vector<16xi1>
        tpu.vector_store_idx %arg9[%iota3A, %broadcast_in_dim3A_435], %while3A_434#1 masked %lt3A_14 : memref<8x1664xi32, #tpu.memory_space<vmem>>[vector<16xi32>, vector<16xi32>], vector<16xi32>, vector<16xi1>
        scf.yield %squeeze3A_381 : i32
      }
      %min3A_314 = arith.minsi %add3A_154, %squeeze3A_24 : i32
      %sub3A_315 = arith.subi %min3A_314, %while3A_313 : i32
      %add3A_316 = arith.constant 15 : i32
      %add3A_317 = arith.addi %sub3A_315, %add3A_316 : i32
      %jit3A_318 = arith.constant 16 : i64
      %convert_element_type3A_319 = arith.trunci %jit3A_318 : i64 to i32
      %div3A_320 = arith.divsi %add3A_317, %convert_element_type3A_319 : i32
      %sign3A_321 = arith.constant 0 : i32
      %sign3A_322 = arith.cmpi sgt, %add3A_317, %sign3A_321 : i32
      %sign3A_323 = arith.extui %sign3A_322 : i1 to i32
      %sign3A_324 = arith.constant 0 : i32
      %sign3A_325 = arith.cmpi slt, %add3A_317, %sign3A_324 : i32
      %sign3A_326 = arith.extui %sign3A_325 : i1 to i32
      %sign3A_327 = arith.subi %sign3A_323, %sign3A_326 : i32
      %sign3A_328 = arith.constant 0 : i32
      %sign3A_329 = arith.cmpi sgt, %convert_element_type3A_319, %sign3A_328 : i32
      %sign3A_330 = arith.extui %sign3A_329 : i1 to i32
      %sign3A_331 = arith.constant 0 : i32
      %sign3A_332 = arith.cmpi slt, %convert_element_type3A_319, %sign3A_331 : i32
      %sign3A_333 = arith.extui %sign3A_332 : i1 to i32
      %sign3A_334 = arith.subi %sign3A_330, %sign3A_333 : i32
      %ne3A_335 = arith.cmpi ne, %sign3A_327, %sign3A_334 : i32
      %rem3A_336 = arith.remsi %add3A_317, %convert_element_type3A_319 : i32
      %ne3A_337 = arith.constant 0 : i32
      %ne3A_338 = arith.cmpi ne, %rem3A_336, %ne3A_337 : i32
      %and3A_339 = arith.andi %ne3A_335, %ne3A_338 : i1
      %sub3A_340 = arith.constant 1 : i32
      %sub3A_341 = arith.subi %div3A_320, %sub3A_340 : i32
      %select_n3A_342 = arith.select %and3A_339, %sub3A_341, %div3A_320 : i32
      %add3A_343 = arith.addi %while3A_313, %sub3A_155 : i32
      %get3A_344 = arith.index_cast %add3A_343 : i32 to index
      %get3A_345 = tpu.vector_load %arg7[%get3A_344] {strides = array<i32>} : memref<16416xf32, #tpu.memory_space<vmem>>, vector<16xf32>,
      %sub3A_346 = arith.subi %min3A_314, %while3A_313 : i32
      %lt3A_347 = vector.broadcast %sub3A_346 : i32 to vector<16xi32>
      %lt3A_348 = arith.cmpi slt, %iota3A, %lt3A_347 : vector<16xi32>
      %select_n3A_349 = arith.select %lt3A_348, %get3A_345, %broadcast_in_dim3A_15 : vector<16xi1>, vector<16xf32>
      %add3A_350 = vector.broadcast %while3A_313 : i32 to vector<16xi32>
      %add3A_351 = arith.addi %add3A_350, %iota3A : vector<16xi32>
      %select_n3A_352 = arith.select %lt3A_348, %add3A_351, %broadcast_in_dim3A_17 : vector<16xi1>, vector<16xi32>
      %masked_sort3A = arith.constant dense<true> : vector<16xi1>
      %masked_sort3A_353, %masked_sort3A_354, %masked_sort3A_355 = tpu.sort %select_n3A_349, %select_n3A_352 masked %masked_sort3A {descending = true} : (vector<16xf32>, vector<16xi32>, vector<16xi1>) -> (vector<16xi1>, vector<16xf32>, vector<16xi32>)
      %convert_element_type3A_356 = arith.extui %cond3A_303#4 : i1 to i32
      %cond3A_357 = arith.constant 0 : i32
      %cond3A_358 = arith.cmpi ne, %convert_element_type3A_356, %cond3A_357 : i32
      %cond3A_359:2 = scf.if %cond3A_358 -> (vector<16xf32>, vector<16xi32>) {
        scf.yield %masked_sort3A_354, %masked_sort3A_355 : vector<16xf32>, vector<16xi32>
      } else {
        %rev3A = arith.constant 15 : i32
        %rev3A_374 = vector.broadcast %rev3A : i32 to vector<16xi32>
        %rev3A_375 = tpu.iota {dimensions = array<i32: 0>} : vector<16xi32>
        %rev3A_376 = arith.subi %rev3A_374, %rev3A_375 : vector<16xi32>
        %rev3A_377 = tpu.dynamic_gather %masked_sort3A_354[%rev3A_376] in [0] : vector<16xf32>, vector<16xi32> -> vector<16xf32>
        %rev3A_378 = arith.constant 15 : i32
        %rev3A_379 = vector.broadcast %rev3A_378 : i32 to vector<16xi32>
        %rev3A_380 = tpu.iota {dimensions = array<i32: 0>} : vector<16xi32>
        %rev3A_381 = arith.subi %rev3A_379, %rev3A_380 : vector<16xi32>
        %rev3A_382 = tpu.dynamic_gather %masked_sort3A_355[%rev3A_381] in [0] : vector<16xi32>, vector<16xi32> -> vector<16xi32>
        %select_n3A_383 = arith.select %lt3A_14, %cond3A_303#2, %rev3A_377 : vector<16xi1>, vector<16xf32>
        %select_n3A_384 = arith.select %lt3A_14, %cond3A_303#3, %rev3A_382 : vector<16xi1>, vector<16xi32>
        %masked_sort3A_385 = arith.constant dense<true> : vector<16xi1>
        %masked_sort3A_386, %masked_sort3A_387, %masked_sort3A_388 = tpu.sort %select_n3A_383, %select_n3A_384 masked %masked_sort3A_385 {descending = true} : (vector<16xf32>, vector<16xi32>, vector<16xi1>) -> (vector<16xi1>, vector<16xf32>, vector<16xi32>)
        scf.yield %masked_sort3A_387, %masked_sort3A_388 : vector<16xf32>, vector<16xi32>
      }
      %while3A_360 = arith.constant 1 : i32
      %while3A_361 = arith.subi %select_n3A_342, %while3A_360 : i32
      %while3A_362 = arith.addi %while3A_360, %while3A_361 : i32
      %while3A_363 = arith.constant 1 : i32
      %while3A_364 = arith.divsi %while3A_361, %while3A_363 : i32
      %while3A_365 = arith.muli %while3A_364, %while3A_363 : i32
      %while3A_366 = arith.addi %while3A_360, %while3A_365 : i32
      %while3A_367 = arith.constant 1 : i32
      %while3A_368:2 = scf.for %while3A_374 = %while3A_360 to %while3A_366 step %while3A_367 iter_args(%while3A_375 = %cond3A_359#0, %while3A_376 = %cond3A_359#1) -> (vector<16xf32>, vector<16xi32>)  : i32 {
        %mul3A_377 = arith.constant 16 : i32
        %mul3A_378 = arith.muli %while3A_374, %mul3A_377 : i32
        %add3A_379 = arith.addi %while3A_313, %mul3A_378 : i32
        %add3A_380 = arith.addi %add3A_379, %sub3A_155 : i32
        %get3A_381 = arith.index_cast %add3A_380 : i32 to index
        %get3A_382 = tpu.vector_load %arg7[%get3A_381] {strides = array<i32>} : memref<16416xf32, #tpu.memory_space<vmem>>, vector<16xf32>,
        %sub3A_383 = arith.subi %min3A_314, %add3A_379 : i32
        %lt3A_384 = vector.broadcast %sub3A_383 : i32 to vector<16xi32>
        %lt3A_385 = arith.cmpi slt, %iota3A, %lt3A_384 : vector<16xi32>
        %select_n3A_386 = arith.select %lt3A_385, %get3A_382, %broadcast_in_dim3A_15 : vector<16xi1>, vector<16xf32>
        %add3A_387 = vector.broadcast %add3A_379 : i32 to vector<16xi32>
        %add3A_388 = arith.addi %add3A_387, %iota3A : vector<16xi32>
        %select_n3A_389 = arith.select %lt3A_385, %add3A_388, %broadcast_in_dim3A_17 : vector<16xi1>, vector<16xi32>
        %masked_sort3A_390 = arith.constant dense<true> : vector<16xi1>
        %masked_sort3A_391, %masked_sort3A_392, %masked_sort3A_393 = tpu.sort %select_n3A_386, %select_n3A_389 masked %masked_sort3A_390 {descending = true} : (vector<16xf32>, vector<16xi32>, vector<16xi1>) -> (vector<16xi1>, vector<16xf32>, vector<16xi32>)
        %rev3A = arith.constant 15 : i32
        %rev3A_394 = vector.broadcast %rev3A : i32 to vector<16xi32>
        %rev3A_395 = tpu.iota {dimensions = array<i32: 0>} : vector<16xi32>
        %rev3A_396 = arith.subi %rev3A_394, %rev3A_395 : vector<16xi32>
        %rev3A_397 = tpu.dynamic_gather %masked_sort3A_392[%rev3A_396] in [0] : vector<16xf32>, vector<16xi32> -> vector<16xf32>
        %rev3A_398 = arith.constant 15 : i32
        %rev3A_399 = vector.broadcast %rev3A_398 : i32 to vector<16xi32>
        %rev3A_400 = tpu.iota {dimensions = array<i32: 0>} : vector<16xi32>
        %rev3A_401 = arith.subi %rev3A_399, %rev3A_400 : vector<16xi32>
        %rev3A_402 = tpu.dynamic_gather %masked_sort3A_393[%rev3A_401] in [0] : vector<16xi32>, vector<16xi32> -> vector<16xi32>
        %select_n3A_403 = arith.select %lt3A_14, %while3A_375, %rev3A_397 : vector<16xi1>, vector<16xf32>
        %select_n3A_404 = arith.select %lt3A_14, %while3A_376, %rev3A_402 : vector<16xi1>, vector<16xi32>
        %masked_sort3A_405 = arith.constant dense<true> : vector<16xi1>
        %masked_sort3A_406, %masked_sort3A_407, %masked_sort3A_408 = tpu.sort %select_n3A_403, %select_n3A_404 masked %masked_sort3A_405 {descending = true} : (vector<16xf32>, vector<16xi32>, vector<16xi1>) -> (vector<16xi1>, vector<16xf32>, vector<16xi32>)
        scf.yield %masked_sort3A_407, %masked_sort3A_408 : vector<16xf32>, vector<16xi32>
      }
      %while3A_369 = arith.constant 1 : i32
      %while3A_370:2 = scf.for %while3A_374 = %while3A_366 to %while3A_362 step %while3A_369 iter_args(%while3A_375 = %while3A_368#0, %while3A_376 = %while3A_368#1) -> (vector<16xf32>, vector<16xi32>)  : i32 {
        %mul3A_377 = arith.constant 16 : i32
        %mul3A_378 = arith.muli %while3A_374, %mul3A_377 : i32
        %add3A_379 = arith.addi %while3A_313, %mul3A_378 : i32
        %add3A_380 = arith.addi %add3A_379, %sub3A_155 : i32
        %get3A_381 = arith.index_cast %add3A_380 : i32 to index
        %get3A_382 = tpu.vector_load %arg7[%get3A_381] {strides = array<i32>} : memref<16416xf32, #tpu.memory_space<vmem>>, vector<16xf32>,
        %sub3A_383 = arith.subi %min3A_314, %add3A_379 : i32
        %lt3A_384 = vector.broadcast %sub3A_383 : i32 to vector<16xi32>
        %lt3A_385 = arith.cmpi slt, %iota3A, %lt3A_384 : vector<16xi32>
        %select_n3A_386 = arith.select %lt3A_385, %get3A_382, %broadcast_in_dim3A_15 : vector<16xi1>, vector<16xf32>
        %add3A_387 = vector.broadcast %add3A_379 : i32 to vector<16xi32>
        %add3A_388 = arith.addi %add3A_387, %iota3A : vector<16xi32>
        %select_n3A_389 = arith.select %lt3A_385, %add3A_388, %broadcast_in_dim3A_17 : vector<16xi1>, vector<16xi32>
        %masked_sort3A_390 = arith.constant dense<true> : vector<16xi1>
        %masked_sort3A_391, %masked_sort3A_392, %masked_sort3A_393 = tpu.sort %select_n3A_386, %select_n3A_389 masked %masked_sort3A_390 {descending = true} : (vector<16xf32>, vector<16xi32>, vector<16xi1>) -> (vector<16xi1>, vector<16xf32>, vector<16xi32>)
        %rev3A = arith.constant 15 : i32
        %rev3A_394 = vector.broadcast %rev3A : i32 to vector<16xi32>
        %rev3A_395 = tpu.iota {dimensions = array<i32: 0>} : vector<16xi32>
        %rev3A_396 = arith.subi %rev3A_394, %rev3A_395 : vector<16xi32>
        %rev3A_397 = tpu.dynamic_gather %masked_sort3A_392[%rev3A_396] in [0] : vector<16xf32>, vector<16xi32> -> vector<16xf32>
        %rev3A_398 = arith.constant 15 : i32
        %rev3A_399 = vector.broadcast %rev3A_398 : i32 to vector<16xi32>
        %rev3A_400 = tpu.iota {dimensions = array<i32: 0>} : vector<16xi32>
        %rev3A_401 = arith.subi %rev3A_399, %rev3A_400 : vector<16xi32>
        %rev3A_402 = tpu.dynamic_gather %masked_sort3A_393[%rev3A_401] in [0] : vector<16xi32>, vector<16xi32> -> vector<16xi32>
        %select_n3A_403 = arith.select %lt3A_14, %while3A_375, %rev3A_397 : vector<16xi1>, vector<16xf32>
        %select_n3A_404 = arith.select %lt3A_14, %while3A_376, %rev3A_402 : vector<16xi1>, vector<16xi32>
        %masked_sort3A_405 = arith.constant dense<true> : vector<16xi1>
        %masked_sort3A_406, %masked_sort3A_407, %masked_sort3A_408 = tpu.sort %select_n3A_403, %select_n3A_404 masked %masked_sort3A_405 {descending = true} : (vector<16xf32>, vector<16xi32>, vector<16xi1>) -> (vector<16xi1>, vector<16xf32>, vector<16xi32>)
        scf.yield %masked_sort3A_407, %masked_sort3A_408 : vector<16xf32>, vector<16xi32>
      }
      %le3A_371 = arith.constant 0 : i32
      %le3A_372 = arith.cmpi sle, %select_n3A_342, %le3A_371 : i32
      %and3A_373 = arith.andi %cond3A_303#4, %le3A_372 : i1
      scf.yield %select_n3A_299, %min3A_314, %while3A_370#0, %while3A_370#1, %and3A_373 : i32, i32, vector<16xf32>, vector<16xi32>, i1
    }
    %while3A_97 = arith.constant 1 : i32
    %while3A_98:5 = scf.for %while3A_115 = %while3A_94 to %while3A_90 step %while3A_97 iter_args(%while3A_116 = %while3A_96#0, %while3A_117 = %while3A_96#1, %while3A_118 = %while3A_96#2, %while3A_119 = %while3A_96#3, %while3A_120 = %while3A_96#4) -> (i32, i32, vector<16xf32>, vector<16xi32>, i1)  : i32 {
      %mul3A_121 = arith.constant 8192 : i32
      %mul3A_122 = arith.muli %while3A_115, %mul3A_121 : i32
      %add3A_123 = arith.addi %mul3A_42, %mul3A_122 : i32
      %min3A_124 = arith.constant 1591808 : i32
      %min3A_125 = arith.minsi %add3A_123, %min3A_124 : i32
      %jit3A_126 = arith.constant 2 : i64
      %convert_element_type3A_127 = arith.trunci %jit3A_126 : i64 to i32
      %eq3A = arith.constant 0 : i32
      %eq3A_128 = arith.cmpi eq, %convert_element_type3A_127, %eq3A : i32
      %jit3A_129 = arith.constant 1 : i32
      %select_n3A_130 = arith.select %eq3A_128, %jit3A_129, %convert_element_type3A_127 : i32
      %rem3A_131 = arith.remsi %while3A_115, %select_n3A_130 : i32
      %ne3A_132 = arith.constant 0 : i32
      %ne3A_133 = arith.cmpi ne, %rem3A_131, %ne3A_132 : i32
      %lt3A_134 = arith.constant 0 : i32
      %lt3A_135 = arith.cmpi slt, %rem3A_131, %lt3A_134 : i32
      %lt3A_136 = arith.constant 0 : i32
      %lt3A_137 = arith.cmpi slt, %select_n3A_130, %lt3A_136 : i32
      %ne3A_138 = arith.xori %lt3A_135, %lt3A_137 : i1
      %and3A_139 = arith.andi %ne3A_138, %ne3A_133 : i1
      %add3A_140 = arith.addi %rem3A_131, %select_n3A_130 : i32
      %select_n3A_141 = arith.select %and3A_139, %add3A_140, %rem3A_131 : i32
      %mul3A_142 = arith.constant 8208 : i32
      %mul3A_143 = arith.muli %select_n3A_141, %mul3A_142 : i32
      %dma_wait3A_144 = tpu.memref_slice %arg7[%mul3A_143] : memref<16416xf32, #tpu.memory_space<vmem>> -> memref<8192xf32, #tpu.memory_space<vmem>>
      %dma_wait3A_145 = tpu.memref_slice %arg3[%min3A_125] : memref<1600000xf32, #tpu.memory_space<hbm>> -> memref<8192xf32, #tpu.memory_space<hbm>>
      %dma_wait3A_146 = tpu.memref_slice %arg7[%mul3A_143] : memref<16416xf32, #tpu.memory_space<vmem>> -> memref<8192xf32, #tpu.memory_space<vmem>>
      %dma_wait3A_147 = tpu.memref_slice %arg3[%min3A_125] : memref<1600000xf32, #tpu.memory_space<hbm>> -> memref<8192xf32, #tpu.memory_space<hbm>>
      tpu.wait_dma2 semaphore(%arg10 : memref<!tpu.dma_semaphore, #tpu.memory_space<semaphore_mem>>) src(%dma_wait3A_147 : memref<8192xf32, #tpu.memory_space<hbm>>) dst(%dma_wait3A_146 : memref<8192xf32, #tpu.memory_space<vmem>>)
      %add3A_148 = arith.constant 1 : i32
      %add3A_149 = arith.addi %while3A_115, %add3A_148 : i32
      %lt3A_150 = arith.cmpi slt, %add3A_149, %max3A_73 : i32
      %convert_element_type3A_151 = arith.extui %lt3A_150 : i1 to i32
      %cond3A = arith.constant 0 : i32
      %cond3A_152 = arith.cmpi ne, %convert_element_type3A_151, %cond3A : i32
      scf.if %cond3A_152 {
        %add3A_374 = arith.constant 1 : i32
        %add3A_375 = arith.addi %while3A_115, %add3A_374 : i32
        %jit3A_376 = arith.constant 2 : i64
        %convert_element_type3A_377 = arith.trunci %jit3A_376 : i64 to i32
        %eq3A_378 = arith.constant 0 : i32
        %eq3A_379 = arith.cmpi eq, %convert_element_type3A_377, %eq3A_378 : i32
        %jit3A_380 = arith.constant 1 : i32
        %select_n3A_381 = arith.select %eq3A_379, %jit3A_380, %convert_element_type3A_377 : i32
        %rem3A_382 = arith.remsi %add3A_375, %select_n3A_381 : i32
        %ne3A_383 = arith.constant 0 : i32
        %ne3A_384 = arith.cmpi ne, %rem3A_382, %ne3A_383 : i32
        %lt3A_385 = arith.constant 0 : i32
        %lt3A_386 = arith.cmpi slt, %rem3A_382, %lt3A_385 : i32
        %lt3A_387 = arith.constant 0 : i32
        %lt3A_388 = arith.cmpi slt, %select_n3A_381, %lt3A_387 : i32
        %ne3A_389 = arith.xori %lt3A_386, %lt3A_388 : i1
        %and3A_390 = arith.andi %ne3A_389, %ne3A_384 : i1
        %add3A_391 = arith.addi %rem3A_382, %select_n3A_381 : i32
        %select_n3A_392 = arith.select %and3A_390, %add3A_391, %rem3A_382 : i32
        %mul3A_393 = arith.constant 8208 : i32
        %mul3A_394 = arith.muli %select_n3A_392, %mul3A_393 : i32
        %add3A_395 = arith.constant 1 : i32
        %add3A_396 = arith.addi %while3A_115, %add3A_395 : i32
        %mul3A_397 = arith.constant 8192 : i32
        %mul3A_398 = arith.muli %add3A_396, %mul3A_397 : i32
        %add3A_399 = arith.addi %mul3A_42, %mul3A_398 : i32
        %min3A_400 = arith.constant 1591808 : i32
        %min3A_401 = arith.minsi %add3A_399, %min3A_400 : i32
        %dma_start3A_402 = tpu.memref_slice %arg7[%mul3A_394] : memref<16416xf32, #tpu.memory_space<vmem>> -> memref<8192xf32, #tpu.memory_space<vmem>>
        %dma_start3A_403 = tpu.memref_slice %arg3[%min3A_401] : memref<1600000xf32, #tpu.memory_space<hbm>> -> memref<8192xf32, #tpu.memory_space<hbm>>
        %dma_start3A_404 = tpu.memref_slice %arg7[%mul3A_394] : memref<16416xf32, #tpu.memory_space<vmem>> -> memref<8192xf32, #tpu.memory_space<vmem>>
        %dma_start3A_405 = tpu.memref_slice %arg3[%min3A_401] : memref<1600000xf32, #tpu.memory_space<hbm>> -> memref<8192xf32, #tpu.memory_space<hbm>>
        tpu.enqueue_dma source(%dma_start3A_405 : memref<8192xf32, #tpu.memory_space<hbm>>) target(%dma_start3A_404 : memref<8192xf32, #tpu.memory_space<vmem>>) target_semaphore(%arg10 : memref<!tpu.dma_semaphore, #tpu.memory_space<semaphore_mem>>)
      } else {
      }
      %add3A_153 = arith.constant 8192 : i32
      %add3A_154 = arith.addi %min3A_125, %add3A_153 : i32
      %sub3A_155 = arith.subi %mul3A_143, %min3A_125 : i32
      %add3A_156 = arith.constant 0 : i32
      %add3A_157 = arith.constant 1024 : i32
      %add3A_158 = arith.addi %add3A_156, %add3A_157 : i32
      %min3A_159 = arith.constant 1664 : i32
      %min3A_160 = arith.minsi %add3A_158, %min3A_159 : i32
      %le3A = arith.constant 1664 : i32
      %le3A_161 = arith.cmpi sle, %add3A_158, %le3A : i32
      %get3A_162 = arith.index_cast %min3A_160 : i32 to index
      %get3A_163 = tpu.vector_load %arg6[%get3A_162] {strides = array<i32>} : memref<1688xi32, #tpu.memory_space<vmem>>, vector<16xi32>,
      %slice3A_164 = vector.extract_strided_slice %get3A_163 {offsets = [0], sizes = [1], strides = [1]} : vector<16xi32> to vector<1xi32>
      %squeeze3A_165 = vector.extract %slice3A_164[0] : i32 from vector<1xi32>
      %le3A_166 = arith.cmpi sle, %squeeze3A_165, %add3A_154 : i32
      %and3A_167 = arith.andi %le3A_161, %le3A_166 : i1
      %jit3A_168 = arith.constant 0 : i32
      %select_n3A_169 = arith.select %and3A_167, %add3A_158, %jit3A_168 : i32
      %add3A_170 = arith.constant 512 : i32
      %add3A_171 = arith.addi %select_n3A_169, %add3A_170 : i32
      %min3A_172 = arith.constant 1664 : i32
      %min3A_173 = arith.minsi %add3A_171, %min3A_172 : i32
      %le3A_174 = arith.constant 1664 : i32
      %le3A_175 = arith.cmpi sle, %add3A_171, %le3A_174 : i32
      %get3A_176 = arith.index_cast %min3A_173 : i32 to index
      %get3A_177 = tpu.vector_load %arg6[%get3A_176] {strides = array<i32>} : memref<1688xi32, #tpu.memory_space<vmem>>, vector<16xi32>,
      %slice3A_178 = vector.extract_strided_slice %get3A_177 {offsets = [0], sizes = [1], strides = [1]} : vector<16xi32> to vector<1xi32>
      %squeeze3A_179 = vector.extract %slice3A_178[0] : i32 from vector<1xi32>
      %le3A_180 = arith.cmpi sle, %squeeze3A_179, %add3A_154 : i32
      %and3A_181 = arith.andi %le3A_175, %le3A_180 : i1
      %select_n3A_182 = arith.select %and3A_181, %add3A_171, %select_n3A_169 : i32
      %add3A_183 = arith.constant 256 : i32
      %add3A_184 = arith.addi %select_n3A_182, %add3A_183 : i32
      %min3A_185 = arith.constant 1664 : i32
      %min3A_186 = arith.minsi %add3A_184, %min3A_185 : i32
      %le3A_187 = arith.constant 1664 : i32
      %le3A_188 = arith.cmpi sle, %add3A_184, %le3A_187 : i32
      %get3A_189 = arith.index_cast %min3A_186 : i32 to index
      %get3A_190 = tpu.vector_load %arg6[%get3A_189] {strides = array<i32>} : memref<1688xi32, #tpu.memory_space<vmem>>, vector<16xi32>,
      %slice3A_191 = vector.extract_strided_slice %get3A_190 {offsets = [0], sizes = [1], strides = [1]} : vector<16xi32> to vector<1xi32>
      %squeeze3A_192 = vector.extract %slice3A_191[0] : i32 from vector<1xi32>
      %le3A_193 = arith.cmpi sle, %squeeze3A_192, %add3A_154 : i32
      %and3A_194 = arith.andi %le3A_188, %le3A_193 : i1
      %select_n3A_195 = arith.select %and3A_194, %add3A_184, %select_n3A_182 : i32
      %add3A_196 = arith.constant 128 : i32
      %add3A_197 = arith.addi %select_n3A_195, %add3A_196 : i32
      %min3A_198 = arith.constant 1664 : i32
      %min3A_199 = arith.minsi %add3A_197, %min3A_198 : i32
      %le3A_200 = arith.constant 1664 : i32
      %le3A_201 = arith.cmpi sle, %add3A_197, %le3A_200 : i32
      %get3A_202 = arith.index_cast %min3A_199 : i32 to index
      %get3A_203 = tpu.vector_load %arg6[%get3A_202] {strides = array<i32>} : memref<1688xi32, #tpu.memory_space<vmem>>, vector<16xi32>,
      %slice3A_204 = vector.extract_strided_slice %get3A_203 {offsets = [0], sizes = [1], strides = [1]} : vector<16xi32> to vector<1xi32>
      %squeeze3A_205 = vector.extract %slice3A_204[0] : i32 from vector<1xi32>
      %le3A_206 = arith.cmpi sle, %squeeze3A_205, %add3A_154 : i32
      %and3A_207 = arith.andi %le3A_201, %le3A_206 : i1
      %select_n3A_208 = arith.select %and3A_207, %add3A_197, %select_n3A_195 : i32
      %add3A_209 = arith.constant 64 : i32
      %add3A_210 = arith.addi %select_n3A_208, %add3A_209 : i32
      %min3A_211 = arith.constant 1664 : i32
      %min3A_212 = arith.minsi %add3A_210, %min3A_211 : i32
      %le3A_213 = arith.constant 1664 : i32
      %le3A_214 = arith.cmpi sle, %add3A_210, %le3A_213 : i32
      %get3A_215 = arith.index_cast %min3A_212 : i32 to index
      %get3A_216 = tpu.vector_load %arg6[%get3A_215] {strides = array<i32>} : memref<1688xi32, #tpu.memory_space<vmem>>, vector<16xi32>,
      %slice3A_217 = vector.extract_strided_slice %get3A_216 {offsets = [0], sizes = [1], strides = [1]} : vector<16xi32> to vector<1xi32>
      %squeeze3A_218 = vector.extract %slice3A_217[0] : i32 from vector<1xi32>
      %le3A_219 = arith.cmpi sle, %squeeze3A_218, %add3A_154 : i32
      %and3A_220 = arith.andi %le3A_214, %le3A_219 : i1
      %select_n3A_221 = arith.select %and3A_220, %add3A_210, %select_n3A_208 : i32
      %add3A_222 = arith.constant 32 : i32
      %add3A_223 = arith.addi %select_n3A_221, %add3A_222 : i32
      %min3A_224 = arith.constant 1664 : i32
      %min3A_225 = arith.minsi %add3A_223, %min3A_224 : i32
      %le3A_226 = arith.constant 1664 : i32
      %le3A_227 = arith.cmpi sle, %add3A_223, %le3A_226 : i32
      %get3A_228 = arith.index_cast %min3A_225 : i32 to index
      %get3A_229 = tpu.vector_load %arg6[%get3A_228] {strides = array<i32>} : memref<1688xi32, #tpu.memory_space<vmem>>, vector<16xi32>,
      %slice3A_230 = vector.extract_strided_slice %get3A_229 {offsets = [0], sizes = [1], strides = [1]} : vector<16xi32> to vector<1xi32>
      %squeeze3A_231 = vector.extract %slice3A_230[0] : i32 from vector<1xi32>
      %le3A_232 = arith.cmpi sle, %squeeze3A_231, %add3A_154 : i32
      %and3A_233 = arith.andi %le3A_227, %le3A_232 : i1
      %select_n3A_234 = arith.select %and3A_233, %add3A_223, %select_n3A_221 : i32
      %add3A_235 = arith.constant 16 : i32
      %add3A_236 = arith.addi %select_n3A_234, %add3A_235 : i32
      %min3A_237 = arith.constant 1664 : i32
      %min3A_238 = arith.minsi %add3A_236, %min3A_237 : i32
      %le3A_239 = arith.constant 1664 : i32
      %le3A_240 = arith.cmpi sle, %add3A_236, %le3A_239 : i32
      %get3A_241 = arith.index_cast %min3A_238 : i32 to index
      %get3A_242 = tpu.vector_load %arg6[%get3A_241] {strides = array<i32>} : memref<1688xi32, #tpu.memory_space<vmem>>, vector<16xi32>,
      %slice3A_243 = vector.extract_strided_slice %get3A_242 {offsets = [0], sizes = [1], strides = [1]} : vector<16xi32> to vector<1xi32>
      %squeeze3A_244 = vector.extract %slice3A_243[0] : i32 from vector<1xi32>
      %le3A_245 = arith.cmpi sle, %squeeze3A_244, %add3A_154 : i32
      %and3A_246 = arith.andi %le3A_240, %le3A_245 : i1
      %select_n3A_247 = arith.select %and3A_246, %add3A_236, %select_n3A_234 : i32
      %add3A_248 = arith.constant 8 : i32
      %add3A_249 = arith.addi %select_n3A_247, %add3A_248 : i32
      %min3A_250 = arith.constant 1664 : i32
      %min3A_251 = arith.minsi %add3A_249, %min3A_250 : i32
      %le3A_252 = arith.constant 1664 : i32
      %le3A_253 = arith.cmpi sle, %add3A_249, %le3A_252 : i32
      %get3A_254 = arith.index_cast %min3A_251 : i32 to index
      %get3A_255 = tpu.vector_load %arg6[%get3A_254] {strides = array<i32>} : memref<1688xi32, #tpu.memory_space<vmem>>, vector<16xi32>,
      %slice3A_256 = vector.extract_strided_slice %get3A_255 {offsets = [0], sizes = [1], strides = [1]} : vector<16xi32> to vector<1xi32>
      %squeeze3A_257 = vector.extract %slice3A_256[0] : i32 from vector<1xi32>
      %le3A_258 = arith.cmpi sle, %squeeze3A_257, %add3A_154 : i32
      %and3A_259 = arith.andi %le3A_253, %le3A_258 : i1
      %select_n3A_260 = arith.select %and3A_259, %add3A_249, %select_n3A_247 : i32
      %add3A_261 = arith.constant 4 : i32
      %add3A_262 = arith.addi %select_n3A_260, %add3A_261 : i32
      %min3A_263 = arith.constant 1664 : i32
      %min3A_264 = arith.minsi %add3A_262, %min3A_263 : i32
      %le3A_265 = arith.constant 1664 : i32
      %le3A_266 = arith.cmpi sle, %add3A_262, %le3A_265 : i32
      %get3A_267 = arith.index_cast %min3A_264 : i32 to index
      %get3A_268 = tpu.vector_load %arg6[%get3A_267] {strides = array<i32>} : memref<1688xi32, #tpu.memory_space<vmem>>, vector<16xi32>,
      %slice3A_269 = vector.extract_strided_slice %get3A_268 {offsets = [0], sizes = [1], strides = [1]} : vector<16xi32> to vector<1xi32>
      %squeeze3A_270 = vector.extract %slice3A_269[0] : i32 from vector<1xi32>
      %le3A_271 = arith.cmpi sle, %squeeze3A_270, %add3A_154 : i32
      %and3A_272 = arith.andi %le3A_266, %le3A_271 : i1
      %select_n3A_273 = arith.select %and3A_272, %add3A_262, %select_n3A_260 : i32
      %add3A_274 = arith.constant 2 : i32
      %add3A_275 = arith.addi %select_n3A_273, %add3A_274 : i32
      %min3A_276 = arith.constant 1664 : i32
      %min3A_277 = arith.minsi %add3A_275, %min3A_276 : i32
      %le3A_278 = arith.constant 1664 : i32
      %le3A_279 = arith.cmpi sle, %add3A_275, %le3A_278 : i32
      %get3A_280 = arith.index_cast %min3A_277 : i32 to index
      %get3A_281 = tpu.vector_load %arg6[%get3A_280] {strides = array<i32>} : memref<1688xi32, #tpu.memory_space<vmem>>, vector<16xi32>,
      %slice3A_282 = vector.extract_strided_slice %get3A_281 {offsets = [0], sizes = [1], strides = [1]} : vector<16xi32> to vector<1xi32>
      %squeeze3A_283 = vector.extract %slice3A_282[0] : i32 from vector<1xi32>
      %le3A_284 = arith.cmpi sle, %squeeze3A_283, %add3A_154 : i32
      %and3A_285 = arith.andi %le3A_279, %le3A_284 : i1
      %select_n3A_286 = arith.select %and3A_285, %add3A_275, %select_n3A_273 : i32
      %add3A_287 = arith.constant 1 : i32
      %add3A_288 = arith.addi %select_n3A_286, %add3A_287 : i32
      %min3A_289 = arith.constant 1664 : i32
      %min3A_290 = arith.minsi %add3A_288, %min3A_289 : i32
      %le3A_291 = arith.constant 1664 : i32
      %le3A_292 = arith.cmpi sle, %add3A_288, %le3A_291 : i32
      %get3A_293 = arith.index_cast %min3A_290 : i32 to index
      %get3A_294 = tpu.vector_load %arg6[%get3A_293] {strides = array<i32>} : memref<1688xi32, #tpu.memory_space<vmem>>, vector<16xi32>,
      %slice3A_295 = vector.extract_strided_slice %get3A_294 {offsets = [0], sizes = [1], strides = [1]} : vector<16xi32> to vector<1xi32>
      %squeeze3A_296 = vector.extract %slice3A_295[0] : i32 from vector<1xi32>
      %le3A_297 = arith.cmpi sle, %squeeze3A_296, %add3A_154 : i32
      %and3A_298 = arith.andi %le3A_292, %le3A_297 : i1
      %select_n3A_299 = arith.select %and3A_298, %add3A_288, %select_n3A_286 : i32
      %convert_element_type3A_300 = arith.extui %while3A_120 : i1 to i32
      %cond3A_301 = arith.constant 0 : i32
      %cond3A_302 = arith.cmpi ne, %convert_element_type3A_300, %cond3A_301 : i32
      %cond3A_303:5 = scf.if %cond3A_302 -> (i32, i32, vector<16xf32>, vector<16xi32>, i1) {
        %cond3A_374 = arith.constant true
        scf.yield %while3A_116, %while3A_117, %while3A_118, %while3A_119, %cond3A_374 : i32, i32, vector<16xf32>, vector<16xi32>, i1
      } else {
        %add3A_374 = arith.constant 1 : i32
        %add3A_375 = arith.addi %while3A_116, %add3A_374 : i32
        %get3A_376 = arith.index_cast %add3A_375 : i32 to index
        %get3A_377 = tpu.vector_load %arg6[%get3A_376] {strides = array<i32>} : memref<1688xi32, #tpu.memory_space<vmem>>, vector<16xi32>,
        %slice3A_378 = vector.extract_strided_slice %get3A_377 {offsets = [0], sizes = [1], strides = [1]} : vector<16xi32> to vector<1xi32>
        %squeeze3A_379 = vector.extract %slice3A_378[0] : i32 from vector<1xi32>
        %min3A_380 = arith.minsi %squeeze3A_379, %add3A_154 : i32
        %sub3A_381 = arith.subi %min3A_380, %while3A_117 : i32
        %add3A_382 = arith.constant 15 : i32
        %add3A_383 = arith.addi %sub3A_381, %add3A_382 : i32
        %jit3A_384 = arith.constant 16 : i64
        %convert_element_type3A_385 = arith.trunci %jit3A_384 : i64 to i32
        %div3A_386 = arith.divsi %add3A_383, %convert_element_type3A_385 : i32
        %sign3A_387 = arith.constant 0 : i32
        %sign3A_388 = arith.cmpi sgt, %add3A_383, %sign3A_387 : i32
        %sign3A_389 = arith.extui %sign3A_388 : i1 to i32
        %sign3A_390 = arith.constant 0 : i32
        %sign3A_391 = arith.cmpi slt, %add3A_383, %sign3A_390 : i32
        %sign3A_392 = arith.extui %sign3A_391 : i1 to i32
        %sign3A_393 = arith.subi %sign3A_389, %sign3A_392 : i32
        %sign3A_394 = arith.constant 0 : i32
        %sign3A_395 = arith.cmpi sgt, %convert_element_type3A_385, %sign3A_394 : i32
        %sign3A_396 = arith.extui %sign3A_395 : i1 to i32
        %sign3A_397 = arith.constant 0 : i32
        %sign3A_398 = arith.cmpi slt, %convert_element_type3A_385, %sign3A_397 : i32
        %sign3A_399 = arith.extui %sign3A_398 : i1 to i32
        %sign3A_400 = arith.subi %sign3A_396, %sign3A_399 : i32
        %ne3A_401 = arith.cmpi ne, %sign3A_393, %sign3A_400 : i32
        %rem3A_402 = arith.remsi %add3A_383, %convert_element_type3A_385 : i32
        %ne3A_403 = arith.constant 0 : i32
        %ne3A_404 = arith.cmpi ne, %rem3A_402, %ne3A_403 : i32
        %and3A_405 = arith.andi %ne3A_401, %ne3A_404 : i1
        %sub3A_406 = arith.constant 1 : i32
        %sub3A_407 = arith.subi %div3A_386, %sub3A_406 : i32
        %select_n3A_408 = arith.select %and3A_405, %sub3A_407, %div3A_386 : i32
        %add3A_409 = arith.addi %while3A_117, %sub3A_155 : i32
        %get3A_410 = arith.index_cast %add3A_409 : i32 to index
        %get3A_411 = tpu.vector_load %arg7[%get3A_410] {strides = array<i32>} : memref<16416xf32, #tpu.memory_space<vmem>>, vector<16xf32>,
        %sub3A_412 = arith.subi %min3A_380, %while3A_117 : i32
        %lt3A_413 = vector.broadcast %sub3A_412 : i32 to vector<16xi32>
        %lt3A_414 = arith.cmpi slt, %iota3A, %lt3A_413 : vector<16xi32>
        %select_n3A_415 = arith.select %lt3A_414, %get3A_411, %broadcast_in_dim3A_15 : vector<16xi1>, vector<16xf32>
        %add3A_416 = vector.broadcast %while3A_117 : i32 to vector<16xi32>
        %add3A_417 = arith.addi %add3A_416, %iota3A : vector<16xi32>
        %select_n3A_418 = arith.select %lt3A_414, %add3A_417, %broadcast_in_dim3A_17 : vector<16xi1>, vector<16xi32>
        %masked_sort3A_419 = arith.constant dense<true> : vector<16xi1>
        %masked_sort3A_420, %masked_sort3A_421, %masked_sort3A_422 = tpu.sort %select_n3A_415, %select_n3A_418 masked %masked_sort3A_419 {descending = true} : (vector<16xf32>, vector<16xi32>, vector<16xi1>) -> (vector<16xi1>, vector<16xf32>, vector<16xi32>)
        %rev3A = arith.constant 15 : i32
        %rev3A_423 = vector.broadcast %rev3A : i32 to vector<16xi32>
        %rev3A_424 = tpu.iota {dimensions = array<i32: 0>} : vector<16xi32>
        %rev3A_425 = arith.subi %rev3A_423, %rev3A_424 : vector<16xi32>
        %rev3A_426 = tpu.dynamic_gather %masked_sort3A_421[%rev3A_425] in [0] : vector<16xf32>, vector<16xi32> -> vector<16xf32>
        %rev3A_427 = arith.constant 15 : i32
        %rev3A_428 = vector.broadcast %rev3A_427 : i32 to vector<16xi32>
        %rev3A_429 = tpu.iota {dimensions = array<i32: 0>} : vector<16xi32>
        %rev3A_430 = arith.subi %rev3A_428, %rev3A_429 : vector<16xi32>
        %rev3A_431 = tpu.dynamic_gather %masked_sort3A_422[%rev3A_430] in [0] : vector<16xi32>, vector<16xi32> -> vector<16xi32>
        %select_n3A_432 = arith.select %lt3A_14, %while3A_118, %rev3A_426 : vector<16xi1>, vector<16xf32>
        %select_n3A_433 = arith.select %lt3A_14, %while3A_119, %rev3A_431 : vector<16xi1>, vector<16xi32>
        %masked_sort3A_434 = arith.constant dense<true> : vector<16xi1>
        %masked_sort3A_435, %masked_sort3A_436, %masked_sort3A_437 = tpu.sort %select_n3A_432, %select_n3A_433 masked %masked_sort3A_434 {descending = true} : (vector<16xf32>, vector<16xi32>, vector<16xi1>) -> (vector<16xi1>, vector<16xf32>, vector<16xi32>)
        %while3A_438 = arith.constant 1 : i32
        %while3A_439 = arith.subi %select_n3A_408, %while3A_438 : i32
        %while3A_440 = arith.addi %while3A_438, %while3A_439 : i32
        %while3A_441 = arith.constant 1 : i32
        %while3A_442 = arith.divsi %while3A_439, %while3A_441 : i32
        %while3A_443 = arith.muli %while3A_442, %while3A_441 : i32
        %while3A_444 = arith.addi %while3A_438, %while3A_443 : i32
        %while3A_445 = arith.constant 1 : i32
        %while3A_446:2 = scf.for %while3A_459 = %while3A_438 to %while3A_444 step %while3A_445 iter_args(%while3A_460 = %masked_sort3A_436, %while3A_461 = %masked_sort3A_437) -> (vector<16xf32>, vector<16xi32>)  : i32 {
          %mul3A_462 = arith.constant 16 : i32
          %mul3A_463 = arith.muli %while3A_459, %mul3A_462 : i32
          %add3A_464 = arith.addi %while3A_117, %mul3A_463 : i32
          %add3A_465 = arith.addi %add3A_464, %sub3A_155 : i32
          %get3A_466 = arith.index_cast %add3A_465 : i32 to index
          %get3A_467 = tpu.vector_load %arg7[%get3A_466] {strides = array<i32>} : memref<16416xf32, #tpu.memory_space<vmem>>, vector<16xf32>,
          %sub3A_468 = arith.subi %min3A_380, %add3A_464 : i32
          %lt3A_469 = vector.broadcast %sub3A_468 : i32 to vector<16xi32>
          %lt3A_470 = arith.cmpi slt, %iota3A, %lt3A_469 : vector<16xi32>
          %select_n3A_471 = arith.select %lt3A_470, %get3A_467, %broadcast_in_dim3A_15 : vector<16xi1>, vector<16xf32>
          %add3A_472 = vector.broadcast %add3A_464 : i32 to vector<16xi32>
          %add3A_473 = arith.addi %add3A_472, %iota3A : vector<16xi32>
          %select_n3A_474 = arith.select %lt3A_470, %add3A_473, %broadcast_in_dim3A_17 : vector<16xi1>, vector<16xi32>
          %masked_sort3A_475 = arith.constant dense<true> : vector<16xi1>
          %masked_sort3A_476, %masked_sort3A_477, %masked_sort3A_478 = tpu.sort %select_n3A_471, %select_n3A_474 masked %masked_sort3A_475 {descending = true} : (vector<16xf32>, vector<16xi32>, vector<16xi1>) -> (vector<16xi1>, vector<16xf32>, vector<16xi32>)
          %rev3A_479 = arith.constant 15 : i32
          %rev3A_480 = vector.broadcast %rev3A_479 : i32 to vector<16xi32>
          %rev3A_481 = tpu.iota {dimensions = array<i32: 0>} : vector<16xi32>
          %rev3A_482 = arith.subi %rev3A_480, %rev3A_481 : vector<16xi32>
          %rev3A_483 = tpu.dynamic_gather %masked_sort3A_477[%rev3A_482] in [0] : vector<16xf32>, vector<16xi32> -> vector<16xf32>
          %rev3A_484 = arith.constant 15 : i32
          %rev3A_485 = vector.broadcast %rev3A_484 : i32 to vector<16xi32>
          %rev3A_486 = tpu.iota {dimensions = array<i32: 0>} : vector<16xi32>
          %rev3A_487 = arith.subi %rev3A_485, %rev3A_486 : vector<16xi32>
          %rev3A_488 = tpu.dynamic_gather %masked_sort3A_478[%rev3A_487] in [0] : vector<16xi32>, vector<16xi32> -> vector<16xi32>
          %select_n3A_489 = arith.select %lt3A_14, %while3A_460, %rev3A_483 : vector<16xi1>, vector<16xf32>
          %select_n3A_490 = arith.select %lt3A_14, %while3A_461, %rev3A_488 : vector<16xi1>, vector<16xi32>
          %masked_sort3A_491 = arith.constant dense<true> : vector<16xi1>
          %masked_sort3A_492, %masked_sort3A_493, %masked_sort3A_494 = tpu.sort %select_n3A_489, %select_n3A_490 masked %masked_sort3A_491 {descending = true} : (vector<16xf32>, vector<16xi32>, vector<16xi1>) -> (vector<16xi1>, vector<16xf32>, vector<16xi32>)
          scf.yield %masked_sort3A_493, %masked_sort3A_494 : vector<16xf32>, vector<16xi32>
        }
        %while3A_447 = arith.constant 1 : i32
        %while3A_448:2 = scf.for %while3A_459 = %while3A_444 to %while3A_440 step %while3A_447 iter_args(%while3A_460 = %while3A_446#0, %while3A_461 = %while3A_446#1) -> (vector<16xf32>, vector<16xi32>)  : i32 {
          %mul3A_462 = arith.constant 16 : i32
          %mul3A_463 = arith.muli %while3A_459, %mul3A_462 : i32
          %add3A_464 = arith.addi %while3A_117, %mul3A_463 : i32
          %add3A_465 = arith.addi %add3A_464, %sub3A_155 : i32
          %get3A_466 = arith.index_cast %add3A_465 : i32 to index
          %get3A_467 = tpu.vector_load %arg7[%get3A_466] {strides = array<i32>} : memref<16416xf32, #tpu.memory_space<vmem>>, vector<16xf32>,
          %sub3A_468 = arith.subi %min3A_380, %add3A_464 : i32
          %lt3A_469 = vector.broadcast %sub3A_468 : i32 to vector<16xi32>
          %lt3A_470 = arith.cmpi slt, %iota3A, %lt3A_469 : vector<16xi32>
          %select_n3A_471 = arith.select %lt3A_470, %get3A_467, %broadcast_in_dim3A_15 : vector<16xi1>, vector<16xf32>
          %add3A_472 = vector.broadcast %add3A_464 : i32 to vector<16xi32>
          %add3A_473 = arith.addi %add3A_472, %iota3A : vector<16xi32>
          %select_n3A_474 = arith.select %lt3A_470, %add3A_473, %broadcast_in_dim3A_17 : vector<16xi1>, vector<16xi32>
          %masked_sort3A_475 = arith.constant dense<true> : vector<16xi1>
          %masked_sort3A_476, %masked_sort3A_477, %masked_sort3A_478 = tpu.sort %select_n3A_471, %select_n3A_474 masked %masked_sort3A_475 {descending = true} : (vector<16xf32>, vector<16xi32>, vector<16xi1>) -> (vector<16xi1>, vector<16xf32>, vector<16xi32>)
          %rev3A_479 = arith.constant 15 : i32
          %rev3A_480 = vector.broadcast %rev3A_479 : i32 to vector<16xi32>
          %rev3A_481 = tpu.iota {dimensions = array<i32: 0>} : vector<16xi32>
          %rev3A_482 = arith.subi %rev3A_480, %rev3A_481 : vector<16xi32>
          %rev3A_483 = tpu.dynamic_gather %masked_sort3A_477[%rev3A_482] in [0] : vector<16xf32>, vector<16xi32> -> vector<16xf32>
          %rev3A_484 = arith.constant 15 : i32
          %rev3A_485 = vector.broadcast %rev3A_484 : i32 to vector<16xi32>
          %rev3A_486 = tpu.iota {dimensions = array<i32: 0>} : vector<16xi32>
          %rev3A_487 = arith.subi %rev3A_485, %rev3A_486 : vector<16xi32>
          %rev3A_488 = tpu.dynamic_gather %masked_sort3A_478[%rev3A_487] in [0] : vector<16xi32>, vector<16xi32> -> vector<16xi32>
          %select_n3A_489 = arith.select %lt3A_14, %while3A_460, %rev3A_483 : vector<16xi1>, vector<16xf32>
          %select_n3A_490 = arith.select %lt3A_14, %while3A_461, %rev3A_488 : vector<16xi1>, vector<16xi32>
          %masked_sort3A_491 = arith.constant dense<true> : vector<16xi1>
          %masked_sort3A_492, %masked_sort3A_493, %masked_sort3A_494 = tpu.sort %select_n3A_489, %select_n3A_490 masked %masked_sort3A_491 {descending = true} : (vector<16xf32>, vector<16xi32>, vector<16xi1>) -> (vector<16xi1>, vector<16xf32>, vector<16xi32>)
          scf.yield %masked_sort3A_493, %masked_sort3A_494 : vector<16xf32>, vector<16xi32>
        }
        %le3A_449 = arith.cmpi sle, %squeeze3A_379, %add3A_154 : i32
        %and3A_450 = vector.broadcast %le3A_449 : i1 to vector<16xi1>
        %and3A_451 = arith.andi %and3A_450, %lt3A_14 : vector<16xi1>
        %broadcast_in_dim3A_452 = vector.broadcast %while3A_116 : i32 to vector<16xi32>
        tpu.vector_store_idx %arg8[%iota3A, %broadcast_in_dim3A_452], %while3A_448#0 masked %and3A_451 : memref<8x1664xf32, #tpu.memory_space<vmem>>[vector<16xi32>, vector<16xi32>], vector<16xf32>, vector<16xi1>
        tpu.vector_store_idx %arg9[%iota3A, %broadcast_in_dim3A_452], %while3A_448#1 masked %and3A_451 : memref<8x1664xi32, #tpu.memory_space<vmem>>[vector<16xi32>, vector<16xi32>], vector<16xi32>, vector<16xi1>
        %and3A_453 = vector.broadcast %le3A_449 : i1 to vector<16xi1>
        %and3A_454 = arith.andi %and3A_453, %broadcast_in_dim3A_19 : vector<16xi1>
        %select_n3A_455 = arith.select %and3A_454, %broadcast_in_dim3A_15, %while3A_448#0 : vector<16xi1>, vector<16xf32>
        %select_n3A_456 = arith.select %and3A_454, %broadcast_in_dim3A_17, %while3A_448#1 : vector<16xi1>, vector<16xi32>
        %convert_element_type3A_457 = arith.extui %le3A_449 : i1 to i32
        %add3A_458 = arith.addi %while3A_116, %convert_element_type3A_457 : i32
        scf.yield %add3A_458, %min3A_380, %select_n3A_455, %select_n3A_456, %le3A_449 : i32, i32, vector<16xf32>, vector<16xi32>, i1
      }
      %while3A_304 = arith.subi %select_n3A_299, %cond3A_303#0 : i32
      %while3A_305 = arith.addi %cond3A_303#0, %while3A_304 : i32
      %while3A_306 = arith.constant 1 : i32
      %while3A_307 = arith.divsi %while3A_304, %while3A_306 : i32
      %while3A_308 = arith.muli %while3A_307, %while3A_306 : i32
      %while3A_309 = arith.addi %cond3A_303#0, %while3A_308 : i32
      %while3A_310 = arith.constant 1 : i32
      %while3A_311 = scf.for %while3A_374 = %cond3A_303#0 to %while3A_309 step %while3A_310 iter_args(%while3A_375 = %cond3A_303#1) -> (i32)  : i32 {
        %add3A_376 = arith.constant 1 : i32
        %add3A_377 = arith.addi %while3A_374, %add3A_376 : i32
        %get3A_378 = arith.index_cast %add3A_377 : i32 to index
        %get3A_379 = tpu.vector_load %arg6[%get3A_378] {strides = array<i32>} : memref<1688xi32, #tpu.memory_space<vmem>>, vector<16xi32>,
        %slice3A_380 = vector.extract_strided_slice %get3A_379 {offsets = [0], sizes = [1], strides = [1]} : vector<16xi32> to vector<1xi32>
        %squeeze3A_381 = vector.extract %slice3A_380[0] : i32 from vector<1xi32>
        %sub3A_382 = arith.subi %squeeze3A_381, %while3A_375 : i32
        %add3A_383 = arith.constant 15 : i32
        %add3A_384 = arith.addi %sub3A_382, %add3A_383 : i32
        %jit3A_385 = arith.constant 16 : i64
        %convert_element_type3A_386 = arith.trunci %jit3A_385 : i64 to i32
        %div3A_387 = arith.divsi %add3A_384, %convert_element_type3A_386 : i32
        %sign3A_388 = arith.constant 0 : i32
        %sign3A_389 = arith.cmpi sgt, %add3A_384, %sign3A_388 : i32
        %sign3A_390 = arith.extui %sign3A_389 : i1 to i32
        %sign3A_391 = arith.constant 0 : i32
        %sign3A_392 = arith.cmpi slt, %add3A_384, %sign3A_391 : i32
        %sign3A_393 = arith.extui %sign3A_392 : i1 to i32
        %sign3A_394 = arith.subi %sign3A_390, %sign3A_393 : i32
        %sign3A_395 = arith.constant 0 : i32
        %sign3A_396 = arith.cmpi sgt, %convert_element_type3A_386, %sign3A_395 : i32
        %sign3A_397 = arith.extui %sign3A_396 : i1 to i32
        %sign3A_398 = arith.constant 0 : i32
        %sign3A_399 = arith.cmpi slt, %convert_element_type3A_386, %sign3A_398 : i32
        %sign3A_400 = arith.extui %sign3A_399 : i1 to i32
        %sign3A_401 = arith.subi %sign3A_397, %sign3A_400 : i32
        %ne3A_402 = arith.cmpi ne, %sign3A_394, %sign3A_401 : i32
        %rem3A_403 = arith.remsi %add3A_384, %convert_element_type3A_386 : i32
        %ne3A_404 = arith.constant 0 : i32
        %ne3A_405 = arith.cmpi ne, %rem3A_403, %ne3A_404 : i32
        %and3A_406 = arith.andi %ne3A_402, %ne3A_405 : i1
        %sub3A_407 = arith.constant 1 : i32
        %sub3A_408 = arith.subi %div3A_387, %sub3A_407 : i32
        %select_n3A_409 = arith.select %and3A_406, %sub3A_408, %div3A_387 : i32
        %add3A_410 = arith.addi %while3A_375, %sub3A_155 : i32
        %get3A_411 = arith.index_cast %add3A_410 : i32 to index
        %get3A_412 = tpu.vector_load %arg7[%get3A_411] {strides = array<i32>} : memref<16416xf32, #tpu.memory_space<vmem>>, vector<16xf32>,
        %sub3A_413 = arith.subi %squeeze3A_381, %while3A_375 : i32
        %lt3A_414 = vector.broadcast %sub3A_413 : i32 to vector<16xi32>
        %lt3A_415 = arith.cmpi slt, %iota3A, %lt3A_414 : vector<16xi32>
        %select_n3A_416 = arith.select %lt3A_415, %get3A_412, %broadcast_in_dim3A_15 : vector<16xi1>, vector<16xf32>
        %add3A_417 = vector.broadcast %while3A_375 : i32 to vector<16xi32>
        %add3A_418 = arith.addi %add3A_417, %iota3A : vector<16xi32>
        %select_n3A_419 = arith.select %lt3A_415, %add3A_418, %broadcast_in_dim3A_17 : vector<16xi1>, vector<16xi32>
        %masked_sort3A_420 = arith.constant dense<true> : vector<16xi1>
        %masked_sort3A_421, %masked_sort3A_422, %masked_sort3A_423 = tpu.sort %select_n3A_416, %select_n3A_419 masked %masked_sort3A_420 {descending = true} : (vector<16xf32>, vector<16xi32>, vector<16xi1>) -> (vector<16xi1>, vector<16xf32>, vector<16xi32>)
        %while3A_424 = arith.constant 1 : i32
        %while3A_425 = arith.subi %select_n3A_409, %while3A_424 : i32
        %while3A_426 = arith.addi %while3A_424, %while3A_425 : i32
        %while3A_427 = arith.constant 1 : i32
        %while3A_428 = arith.divsi %while3A_425, %while3A_427 : i32
        %while3A_429 = arith.muli %while3A_428, %while3A_427 : i32
        %while3A_430 = arith.addi %while3A_424, %while3A_429 : i32
        %while3A_431 = arith.constant 1 : i32
        %while3A_432:2 = scf.for %while3A_436 = %while3A_424 to %while3A_430 step %while3A_431 iter_args(%while3A_437 = %masked_sort3A_422, %while3A_438 = %masked_sort3A_423) -> (vector<16xf32>, vector<16xi32>)  : i32 {
          %mul3A_439 = arith.constant 16 : i32
          %mul3A_440 = arith.muli %while3A_436, %mul3A_439 : i32
          %add3A_441 = arith.addi %while3A_375, %mul3A_440 : i32
          %add3A_442 = arith.addi %add3A_441, %sub3A_155 : i32
          %get3A_443 = arith.index_cast %add3A_442 : i32 to index
          %get3A_444 = tpu.vector_load %arg7[%get3A_443] {strides = array<i32>} : memref<16416xf32, #tpu.memory_space<vmem>>, vector<16xf32>,
          %sub3A_445 = arith.subi %squeeze3A_381, %add3A_441 : i32
          %lt3A_446 = vector.broadcast %sub3A_445 : i32 to vector<16xi32>
          %lt3A_447 = arith.cmpi slt, %iota3A, %lt3A_446 : vector<16xi32>
          %select_n3A_448 = arith.select %lt3A_447, %get3A_444, %broadcast_in_dim3A_15 : vector<16xi1>, vector<16xf32>
          %add3A_449 = vector.broadcast %add3A_441 : i32 to vector<16xi32>
          %add3A_450 = arith.addi %add3A_449, %iota3A : vector<16xi32>
          %select_n3A_451 = arith.select %lt3A_447, %add3A_450, %broadcast_in_dim3A_17 : vector<16xi1>, vector<16xi32>
          %masked_sort3A_452 = arith.constant dense<true> : vector<16xi1>
          %masked_sort3A_453, %masked_sort3A_454, %masked_sort3A_455 = tpu.sort %select_n3A_448, %select_n3A_451 masked %masked_sort3A_452 {descending = true} : (vector<16xf32>, vector<16xi32>, vector<16xi1>) -> (vector<16xi1>, vector<16xf32>, vector<16xi32>)
          %rev3A = arith.constant 15 : i32
          %rev3A_456 = vector.broadcast %rev3A : i32 to vector<16xi32>
          %rev3A_457 = tpu.iota {dimensions = array<i32: 0>} : vector<16xi32>
          %rev3A_458 = arith.subi %rev3A_456, %rev3A_457 : vector<16xi32>
          %rev3A_459 = tpu.dynamic_gather %masked_sort3A_454[%rev3A_458] in [0] : vector<16xf32>, vector<16xi32> -> vector<16xf32>
          %rev3A_460 = arith.constant 15 : i32
          %rev3A_461 = vector.broadcast %rev3A_460 : i32 to vector<16xi32>
          %rev3A_462 = tpu.iota {dimensions = array<i32: 0>} : vector<16xi32>
          %rev3A_463 = arith.subi %rev3A_461, %rev3A_462 : vector<16xi32>
          %rev3A_464 = tpu.dynamic_gather %masked_sort3A_455[%rev3A_463] in [0] : vector<16xi32>, vector<16xi32> -> vector<16xi32>
          %select_n3A_465 = arith.select %lt3A_14, %while3A_437, %rev3A_459 : vector<16xi1>, vector<16xf32>
          %select_n3A_466 = arith.select %lt3A_14, %while3A_438, %rev3A_464 : vector<16xi1>, vector<16xi32>
          %masked_sort3A_467 = arith.constant dense<true> : vector<16xi1>
          %masked_sort3A_468, %masked_sort3A_469, %masked_sort3A_470 = tpu.sort %select_n3A_465, %select_n3A_466 masked %masked_sort3A_467 {descending = true} : (vector<16xf32>, vector<16xi32>, vector<16xi1>) -> (vector<16xi1>, vector<16xf32>, vector<16xi32>)
          scf.yield %masked_sort3A_469, %masked_sort3A_470 : vector<16xf32>, vector<16xi32>
        }
        %while3A_433 = arith.constant 1 : i32
        %while3A_434:2 = scf.for %while3A_436 = %while3A_430 to %while3A_426 step %while3A_433 iter_args(%while3A_437 = %while3A_432#0, %while3A_438 = %while3A_432#1) -> (vector<16xf32>, vector<16xi32>)  : i32 {
          %mul3A_439 = arith.constant 16 : i32
          %mul3A_440 = arith.muli %while3A_436, %mul3A_439 : i32
          %add3A_441 = arith.addi %while3A_375, %mul3A_440 : i32
          %add3A_442 = arith.addi %add3A_441, %sub3A_155 : i32
          %get3A_443 = arith.index_cast %add3A_442 : i32 to index
          %get3A_444 = tpu.vector_load %arg7[%get3A_443] {strides = array<i32>} : memref<16416xf32, #tpu.memory_space<vmem>>, vector<16xf32>,
          %sub3A_445 = arith.subi %squeeze3A_381, %add3A_441 : i32
          %lt3A_446 = vector.broadcast %sub3A_445 : i32 to vector<16xi32>
          %lt3A_447 = arith.cmpi slt, %iota3A, %lt3A_446 : vector<16xi32>
          %select_n3A_448 = arith.select %lt3A_447, %get3A_444, %broadcast_in_dim3A_15 : vector<16xi1>, vector<16xf32>
          %add3A_449 = vector.broadcast %add3A_441 : i32 to vector<16xi32>
          %add3A_450 = arith.addi %add3A_449, %iota3A : vector<16xi32>
          %select_n3A_451 = arith.select %lt3A_447, %add3A_450, %broadcast_in_dim3A_17 : vector<16xi1>, vector<16xi32>
          %masked_sort3A_452 = arith.constant dense<true> : vector<16xi1>
          %masked_sort3A_453, %masked_sort3A_454, %masked_sort3A_455 = tpu.sort %select_n3A_448, %select_n3A_451 masked %masked_sort3A_452 {descending = true} : (vector<16xf32>, vector<16xi32>, vector<16xi1>) -> (vector<16xi1>, vector<16xf32>, vector<16xi32>)
          %rev3A = arith.constant 15 : i32
          %rev3A_456 = vector.broadcast %rev3A : i32 to vector<16xi32>
          %rev3A_457 = tpu.iota {dimensions = array<i32: 0>} : vector<16xi32>
          %rev3A_458 = arith.subi %rev3A_456, %rev3A_457 : vector<16xi32>
          %rev3A_459 = tpu.dynamic_gather %masked_sort3A_454[%rev3A_458] in [0] : vector<16xf32>, vector<16xi32> -> vector<16xf32>
          %rev3A_460 = arith.constant 15 : i32
          %rev3A_461 = vector.broadcast %rev3A_460 : i32 to vector<16xi32>
          %rev3A_462 = tpu.iota {dimensions = array<i32: 0>} : vector<16xi32>
          %rev3A_463 = arith.subi %rev3A_461, %rev3A_462 : vector<16xi32>
          %rev3A_464 = tpu.dynamic_gather %masked_sort3A_455[%rev3A_463] in [0] : vector<16xi32>, vector<16xi32> -> vector<16xi32>
          %select_n3A_465 = arith.select %lt3A_14, %while3A_437, %rev3A_459 : vector<16xi1>, vector<16xf32>
          %select_n3A_466 = arith.select %lt3A_14, %while3A_438, %rev3A_464 : vector<16xi1>, vector<16xi32>
          %masked_sort3A_467 = arith.constant dense<true> : vector<16xi1>
          %masked_sort3A_468, %masked_sort3A_469, %masked_sort3A_470 = tpu.sort %select_n3A_465, %select_n3A_466 masked %masked_sort3A_467 {descending = true} : (vector<16xf32>, vector<16xi32>, vector<16xi1>) -> (vector<16xi1>, vector<16xf32>, vector<16xi32>)
          scf.yield %masked_sort3A_469, %masked_sort3A_470 : vector<16xf32>, vector<16xi32>
        }
        %broadcast_in_dim3A_435 = vector.broadcast %while3A_374 : i32 to vector<16xi32>
        tpu.vector_store_idx %arg8[%iota3A, %broadcast_in_dim3A_435], %while3A_434#0 masked %lt3A_14 : memref<8x1664xf32, #tpu.memory_space<vmem>>[vector<16xi32>, vector<16xi32>], vector<16xf32>, vector<16xi1>
        tpu.vector_store_idx %arg9[%iota3A, %broadcast_in_dim3A_435], %while3A_434#1 masked %lt3A_14 : memref<8x1664xi32, #tpu.memory_space<vmem>>[vector<16xi32>, vector<16xi32>], vector<16xi32>, vector<16xi1>
        scf.yield %squeeze3A_381 : i32
      }
      %while3A_312 = arith.constant 1 : i32
      %while3A_313 = scf.for %while3A_374 = %while3A_309 to %while3A_305 step %while3A_312 iter_args(%while3A_375 = %while3A_311) -> (i32)  : i32 {
        %add3A_376 = arith.constant 1 : i32
        %add3A_377 = arith.addi %while3A_374, %add3A_376 : i32
        %get3A_378 = arith.index_cast %add3A_377 : i32 to index
        %get3A_379 = tpu.vector_load %arg6[%get3A_378] {strides = array<i32>} : memref<1688xi32, #tpu.memory_space<vmem>>, vector<16xi32>,
        %slice3A_380 = vector.extract_strided_slice %get3A_379 {offsets = [0], sizes = [1], strides = [1]} : vector<16xi32> to vector<1xi32>
        %squeeze3A_381 = vector.extract %slice3A_380[0] : i32 from vector<1xi32>
        %sub3A_382 = arith.subi %squeeze3A_381, %while3A_375 : i32
        %add3A_383 = arith.constant 15 : i32
        %add3A_384 = arith.addi %sub3A_382, %add3A_383 : i32
        %jit3A_385 = arith.constant 16 : i64
        %convert_element_type3A_386 = arith.trunci %jit3A_385 : i64 to i32
        %div3A_387 = arith.divsi %add3A_384, %convert_element_type3A_386 : i32
        %sign3A_388 = arith.constant 0 : i32
        %sign3A_389 = arith.cmpi sgt, %add3A_384, %sign3A_388 : i32
        %sign3A_390 = arith.extui %sign3A_389 : i1 to i32
        %sign3A_391 = arith.constant 0 : i32
        %sign3A_392 = arith.cmpi slt, %add3A_384, %sign3A_391 : i32
        %sign3A_393 = arith.extui %sign3A_392 : i1 to i32
        %sign3A_394 = arith.subi %sign3A_390, %sign3A_393 : i32
        %sign3A_395 = arith.constant 0 : i32
        %sign3A_396 = arith.cmpi sgt, %convert_element_type3A_386, %sign3A_395 : i32
        %sign3A_397 = arith.extui %sign3A_396 : i1 to i32
        %sign3A_398 = arith.constant 0 : i32
        %sign3A_399 = arith.cmpi slt, %convert_element_type3A_386, %sign3A_398 : i32
        %sign3A_400 = arith.extui %sign3A_399 : i1 to i32
        %sign3A_401 = arith.subi %sign3A_397, %sign3A_400 : i32
        %ne3A_402 = arith.cmpi ne, %sign3A_394, %sign3A_401 : i32
        %rem3A_403 = arith.remsi %add3A_384, %convert_element_type3A_386 : i32
        %ne3A_404 = arith.constant 0 : i32
        %ne3A_405 = arith.cmpi ne, %rem3A_403, %ne3A_404 : i32
        %and3A_406 = arith.andi %ne3A_402, %ne3A_405 : i1
        %sub3A_407 = arith.constant 1 : i32
        %sub3A_408 = arith.subi %div3A_387, %sub3A_407 : i32
        %select_n3A_409 = arith.select %and3A_406, %sub3A_408, %div3A_387 : i32
        %add3A_410 = arith.addi %while3A_375, %sub3A_155 : i32
        %get3A_411 = arith.index_cast %add3A_410 : i32 to index
        %get3A_412 = tpu.vector_load %arg7[%get3A_411] {strides = array<i32>} : memref<16416xf32, #tpu.memory_space<vmem>>, vector<16xf32>,
        %sub3A_413 = arith.subi %squeeze3A_381, %while3A_375 : i32
        %lt3A_414 = vector.broadcast %sub3A_413 : i32 to vector<16xi32>
        %lt3A_415 = arith.cmpi slt, %iota3A, %lt3A_414 : vector<16xi32>
        %select_n3A_416 = arith.select %lt3A_415, %get3A_412, %broadcast_in_dim3A_15 : vector<16xi1>, vector<16xf32>
        %add3A_417 = vector.broadcast %while3A_375 : i32 to vector<16xi32>
        %add3A_418 = arith.addi %add3A_417, %iota3A : vector<16xi32>
        %select_n3A_419 = arith.select %lt3A_415, %add3A_418, %broadcast_in_dim3A_17 : vector<16xi1>, vector<16xi32>
        %masked_sort3A_420 = arith.constant dense<true> : vector<16xi1>
        %masked_sort3A_421, %masked_sort3A_422, %masked_sort3A_423 = tpu.sort %select_n3A_416, %select_n3A_419 masked %masked_sort3A_420 {descending = true} : (vector<16xf32>, vector<16xi32>, vector<16xi1>) -> (vector<16xi1>, vector<16xf32>, vector<16xi32>)
        %while3A_424 = arith.constant 1 : i32
        %while3A_425 = arith.subi %select_n3A_409, %while3A_424 : i32
        %while3A_426 = arith.addi %while3A_424, %while3A_425 : i32
        %while3A_427 = arith.constant 1 : i32
        %while3A_428 = arith.divsi %while3A_425, %while3A_427 : i32
        %while3A_429 = arith.muli %while3A_428, %while3A_427 : i32
        %while3A_430 = arith.addi %while3A_424, %while3A_429 : i32
        %while3A_431 = arith.constant 1 : i32
        %while3A_432:2 = scf.for %while3A_436 = %while3A_424 to %while3A_430 step %while3A_431 iter_args(%while3A_437 = %masked_sort3A_422, %while3A_438 = %masked_sort3A_423) -> (vector<16xf32>, vector<16xi32>)  : i32 {
          %mul3A_439 = arith.constant 16 : i32
          %mul3A_440 = arith.muli %while3A_436, %mul3A_439 : i32
          %add3A_441 = arith.addi %while3A_375, %mul3A_440 : i32
          %add3A_442 = arith.addi %add3A_441, %sub3A_155 : i32
          %get3A_443 = arith.index_cast %add3A_442 : i32 to index
          %get3A_444 = tpu.vector_load %arg7[%get3A_443] {strides = array<i32>} : memref<16416xf32, #tpu.memory_space<vmem>>, vector<16xf32>,
          %sub3A_445 = arith.subi %squeeze3A_381, %add3A_441 : i32
          %lt3A_446 = vector.broadcast %sub3A_445 : i32 to vector<16xi32>
          %lt3A_447 = arith.cmpi slt, %iota3A, %lt3A_446 : vector<16xi32>
          %select_n3A_448 = arith.select %lt3A_447, %get3A_444, %broadcast_in_dim3A_15 : vector<16xi1>, vector<16xf32>
          %add3A_449 = vector.broadcast %add3A_441 : i32 to vector<16xi32>
          %add3A_450 = arith.addi %add3A_449, %iota3A : vector<16xi32>
          %select_n3A_451 = arith.select %lt3A_447, %add3A_450, %broadcast_in_dim3A_17 : vector<16xi1>, vector<16xi32>
          %masked_sort3A_452 = arith.constant dense<true> : vector<16xi1>
          %masked_sort3A_453, %masked_sort3A_454, %masked_sort3A_455 = tpu.sort %select_n3A_448, %select_n3A_451 masked %masked_sort3A_452 {descending = true} : (vector<16xf32>, vector<16xi32>, vector<16xi1>) -> (vector<16xi1>, vector<16xf32>, vector<16xi32>)
          %rev3A = arith.constant 15 : i32
          %rev3A_456 = vector.broadcast %rev3A : i32 to vector<16xi32>
          %rev3A_457 = tpu.iota {dimensions = array<i32: 0>} : vector<16xi32>
          %rev3A_458 = arith.subi %rev3A_456, %rev3A_457 : vector<16xi32>
          %rev3A_459 = tpu.dynamic_gather %masked_sort3A_454[%rev3A_458] in [0] : vector<16xf32>, vector<16xi32> -> vector<16xf32>
          %rev3A_460 = arith.constant 15 : i32
          %rev3A_461 = vector.broadcast %rev3A_460 : i32 to vector<16xi32>
          %rev3A_462 = tpu.iota {dimensions = array<i32: 0>} : vector<16xi32>
          %rev3A_463 = arith.subi %rev3A_461, %rev3A_462 : vector<16xi32>
          %rev3A_464 = tpu.dynamic_gather %masked_sort3A_455[%rev3A_463] in [0] : vector<16xi32>, vector<16xi32> -> vector<16xi32>
          %select_n3A_465 = arith.select %lt3A_14, %while3A_437, %rev3A_459 : vector<16xi1>, vector<16xf32>
          %select_n3A_466 = arith.select %lt3A_14, %while3A_438, %rev3A_464 : vector<16xi1>, vector<16xi32>
          %masked_sort3A_467 = arith.constant dense<true> : vector<16xi1>
          %masked_sort3A_468, %masked_sort3A_469, %masked_sort3A_470 = tpu.sort %select_n3A_465, %select_n3A_466 masked %masked_sort3A_467 {descending = true} : (vector<16xf32>, vector<16xi32>, vector<16xi1>) -> (vector<16xi1>, vector<16xf32>, vector<16xi32>)
          scf.yield %masked_sort3A_469, %masked_sort3A_470 : vector<16xf32>, vector<16xi32>
        }
        %while3A_433 = arith.constant 1 : i32
        %while3A_434:2 = scf.for %while3A_436 = %while3A_430 to %while3A_426 step %while3A_433 iter_args(%while3A_437 = %while3A_432#0, %while3A_438 = %while3A_432#1) -> (vector<16xf32>, vector<16xi32>)  : i32 {
          %mul3A_439 = arith.constant 16 : i32
          %mul3A_440 = arith.muli %while3A_436, %mul3A_439 : i32
          %add3A_441 = arith.addi %while3A_375, %mul3A_440 : i32
          %add3A_442 = arith.addi %add3A_441, %sub3A_155 : i32
          %get3A_443 = arith.index_cast %add3A_442 : i32 to index
          %get3A_444 = tpu.vector_load %arg7[%get3A_443] {strides = array<i32>} : memref<16416xf32, #tpu.memory_space<vmem>>, vector<16xf32>,
          %sub3A_445 = arith.subi %squeeze3A_381, %add3A_441 : i32
          %lt3A_446 = vector.broadcast %sub3A_445 : i32 to vector<16xi32>
          %lt3A_447 = arith.cmpi slt, %iota3A, %lt3A_446 : vector<16xi32>
          %select_n3A_448 = arith.select %lt3A_447, %get3A_444, %broadcast_in_dim3A_15 : vector<16xi1>, vector<16xf32>
          %add3A_449 = vector.broadcast %add3A_441 : i32 to vector<16xi32>
          %add3A_450 = arith.addi %add3A_449, %iota3A : vector<16xi32>
          %select_n3A_451 = arith.select %lt3A_447, %add3A_450, %broadcast_in_dim3A_17 : vector<16xi1>, vector<16xi32>
          %masked_sort3A_452 = arith.constant dense<true> : vector<16xi1>
          %masked_sort3A_453, %masked_sort3A_454, %masked_sort3A_455 = tpu.sort %select_n3A_448, %select_n3A_451 masked %masked_sort3A_452 {descending = true} : (vector<16xf32>, vector<16xi32>, vector<16xi1>) -> (vector<16xi1>, vector<16xf32>, vector<16xi32>)
          %rev3A = arith.constant 15 : i32
          %rev3A_456 = vector.broadcast %rev3A : i32 to vector<16xi32>
          %rev3A_457 = tpu.iota {dimensions = array<i32: 0>} : vector<16xi32>
          %rev3A_458 = arith.subi %rev3A_456, %rev3A_457 : vector<16xi32>
          %rev3A_459 = tpu.dynamic_gather %masked_sort3A_454[%rev3A_458] in [0] : vector<16xf32>, vector<16xi32> -> vector<16xf32>
          %rev3A_460 = arith.constant 15 : i32
          %rev3A_461 = vector.broadcast %rev3A_460 : i32 to vector<16xi32>
          %rev3A_462 = tpu.iota {dimensions = array<i32: 0>} : vector<16xi32>
          %rev3A_463 = arith.subi %rev3A_461, %rev3A_462 : vector<16xi32>
          %rev3A_464 = tpu.dynamic_gather %masked_sort3A_455[%rev3A_463] in [0] : vector<16xi32>, vector<16xi32> -> vector<16xi32>
          %select_n3A_465 = arith.select %lt3A_14, %while3A_437, %rev3A_459 : vector<16xi1>, vector<16xf32>
          %select_n3A_466 = arith.select %lt3A_14, %while3A_438, %rev3A_464 : vector<16xi1>, vector<16xi32>
          %masked_sort3A_467 = arith.constant dense<true> : vector<16xi1>
          %masked_sort3A_468, %masked_sort3A_469, %masked_sort3A_470 = tpu.sort %select_n3A_465, %select_n3A_466 masked %masked_sort3A_467 {descending = true} : (vector<16xf32>, vector<16xi32>, vector<16xi1>) -> (vector<16xi1>, vector<16xf32>, vector<16xi32>)
          scf.yield %masked_sort3A_469, %masked_sort3A_470 : vector<16xf32>, vector<16xi32>
        }
        %broadcast_in_dim3A_435 = vector.broadcast %while3A_374 : i32 to vector<16xi32>
        tpu.vector_store_idx %arg8[%iota3A, %broadcast_in_dim3A_435], %while3A_434#0 masked %lt3A_14 : memref<8x1664xf32, #tpu.memory_space<vmem>>[vector<16xi32>, vector<16xi32>], vector<16xf32>, vector<16xi1>
        tpu.vector_store_idx %arg9[%iota3A, %broadcast_in_dim3A_435], %while3A_434#1 masked %lt3A_14 : memref<8x1664xi32, #tpu.memory_space<vmem>>[vector<16xi32>, vector<16xi32>], vector<16xi32>, vector<16xi1>
        scf.yield %squeeze3A_381 : i32
      }
      %min3A_314 = arith.minsi %add3A_154, %squeeze3A_24 : i32
      %sub3A_315 = arith.subi %min3A_314, %while3A_313 : i32
      %add3A_316 = arith.constant 15 : i32
      %add3A_317 = arith.addi %sub3A_315, %add3A_316 : i32
      %jit3A_318 = arith.constant 16 : i64
      %convert_element_type3A_319 = arith.trunci %jit3A_318 : i64 to i32
      %div3A_320 = arith.divsi %add3A_317, %convert_element_type3A_319 : i32
      %sign3A_321 = arith.constant 0 : i32
      %sign3A_322 = arith.cmpi sgt, %add3A_317, %sign3A_321 : i32
      %sign3A_323 = arith.extui %sign3A_322 : i1 to i32
      %sign3A_324 = arith.constant 0 : i32
      %sign3A_325 = arith.cmpi slt, %add3A_317, %sign3A_324 : i32
      %sign3A_326 = arith.extui %sign3A_325 : i1 to i32
      %sign3A_327 = arith.subi %sign3A_323, %sign3A_326 : i32
      %sign3A_328 = arith.constant 0 : i32
      %sign3A_329 = arith.cmpi sgt, %convert_element_type3A_319, %sign3A_328 : i32
      %sign3A_330 = arith.extui %sign3A_329 : i1 to i32
      %sign3A_331 = arith.constant 0 : i32
      %sign3A_332 = arith.cmpi slt, %convert_element_type3A_319, %sign3A_331 : i32
      %sign3A_333 = arith.extui %sign3A_332 : i1 to i32
      %sign3A_334 = arith.subi %sign3A_330, %sign3A_333 : i32
      %ne3A_335 = arith.cmpi ne, %sign3A_327, %sign3A_334 : i32
      %rem3A_336 = arith.remsi %add3A_317, %convert_element_type3A_319 : i32
      %ne3A_337 = arith.constant 0 : i32
      %ne3A_338 = arith.cmpi ne, %rem3A_336, %ne3A_337 : i32
      %and3A_339 = arith.andi %ne3A_335, %ne3A_338 : i1
      %sub3A_340 = arith.constant 1 : i32
      %sub3A_341 = arith.subi %div3A_320, %sub3A_340 : i32
      %select_n3A_342 = arith.select %and3A_339, %sub3A_341, %div3A_320 : i32
      %add3A_343 = arith.addi %while3A_313, %sub3A_155 : i32
      %get3A_344 = arith.index_cast %add3A_343 : i32 to index
      %get3A_345 = tpu.vector_load %arg7[%get3A_344] {strides = array<i32>} : memref<16416xf32, #tpu.memory_space<vmem>>, vector<16xf32>,
      %sub3A_346 = arith.subi %min3A_314, %while3A_313 : i32
      %lt3A_347 = vector.broadcast %sub3A_346 : i32 to vector<16xi32>
      %lt3A_348 = arith.cmpi slt, %iota3A, %lt3A_347 : vector<16xi32>
      %select_n3A_349 = arith.select %lt3A_348, %get3A_345, %broadcast_in_dim3A_15 : vector<16xi1>, vector<16xf32>
      %add3A_350 = vector.broadcast %while3A_313 : i32 to vector<16xi32>
      %add3A_351 = arith.addi %add3A_350, %iota3A : vector<16xi32>
      %select_n3A_352 = arith.select %lt3A_348, %add3A_351, %broadcast_in_dim3A_17 : vector<16xi1>, vector<16xi32>
      %masked_sort3A = arith.constant dense<true> : vector<16xi1>
      %masked_sort3A_353, %masked_sort3A_354, %masked_sort3A_355 = tpu.sort %select_n3A_349, %select_n3A_352 masked %masked_sort3A {descending = true} : (vector<16xf32>, vector<16xi32>, vector<16xi1>) -> (vector<16xi1>, vector<16xf32>, vector<16xi32>)
      %convert_element_type3A_356 = arith.extui %cond3A_303#4 : i1 to i32
      %cond3A_357 = arith.constant 0 : i32
      %cond3A_358 = arith.cmpi ne, %convert_element_type3A_356, %cond3A_357 : i32
      %cond3A_359:2 = scf.if %cond3A_358 -> (vector<16xf32>, vector<16xi32>) {
        scf.yield %masked_sort3A_354, %masked_sort3A_355 : vector<16xf32>, vector<16xi32>
      } else {
        %rev3A = arith.constant 15 : i32
        %rev3A_374 = vector.broadcast %rev3A : i32 to vector<16xi32>
        %rev3A_375 = tpu.iota {dimensions = array<i32: 0>} : vector<16xi32>
        %rev3A_376 = arith.subi %rev3A_374, %rev3A_375 : vector<16xi32>
        %rev3A_377 = tpu.dynamic_gather %masked_sort3A_354[%rev3A_376] in [0] : vector<16xf32>, vector<16xi32> -> vector<16xf32>
        %rev3A_378 = arith.constant 15 : i32
        %rev3A_379 = vector.broadcast %rev3A_378 : i32 to vector<16xi32>
        %rev3A_380 = tpu.iota {dimensions = array<i32: 0>} : vector<16xi32>
        %rev3A_381 = arith.subi %rev3A_379, %rev3A_380 : vector<16xi32>
        %rev3A_382 = tpu.dynamic_gather %masked_sort3A_355[%rev3A_381] in [0] : vector<16xi32>, vector<16xi32> -> vector<16xi32>
        %select_n3A_383 = arith.select %lt3A_14, %cond3A_303#2, %rev3A_377 : vector<16xi1>, vector<16xf32>
        %select_n3A_384 = arith.select %lt3A_14, %cond3A_303#3, %rev3A_382 : vector<16xi1>, vector<16xi32>
        %masked_sort3A_385 = arith.constant dense<true> : vector<16xi1>
        %masked_sort3A_386, %masked_sort3A_387, %masked_sort3A_388 = tpu.sort %select_n3A_383, %select_n3A_384 masked %masked_sort3A_385 {descending = true} : (vector<16xf32>, vector<16xi32>, vector<16xi1>) -> (vector<16xi1>, vector<16xf32>, vector<16xi32>)
        scf.yield %masked_sort3A_387, %masked_sort3A_388 : vector<16xf32>, vector<16xi32>
      }
      %while3A_360 = arith.constant 1 : i32
      %while3A_361 = arith.subi %select_n3A_342, %while3A_360 : i32
      %while3A_362 = arith.addi %while3A_360, %while3A_361 : i32
      %while3A_363 = arith.constant 1 : i32
      %while3A_364 = arith.divsi %while3A_361, %while3A_363 : i32
      %while3A_365 = arith.muli %while3A_364, %while3A_363 : i32
      %while3A_366 = arith.addi %while3A_360, %while3A_365 : i32
      %while3A_367 = arith.constant 1 : i32
      %while3A_368:2 = scf.for %while3A_374 = %while3A_360 to %while3A_366 step %while3A_367 iter_args(%while3A_375 = %cond3A_359#0, %while3A_376 = %cond3A_359#1) -> (vector<16xf32>, vector<16xi32>)  : i32 {
        %mul3A_377 = arith.constant 16 : i32
        %mul3A_378 = arith.muli %while3A_374, %mul3A_377 : i32
        %add3A_379 = arith.addi %while3A_313, %mul3A_378 : i32
        %add3A_380 = arith.addi %add3A_379, %sub3A_155 : i32
        %get3A_381 = arith.index_cast %add3A_380 : i32 to index
        %get3A_382 = tpu.vector_load %arg7[%get3A_381] {strides = array<i32>} : memref<16416xf32, #tpu.memory_space<vmem>>, vector<16xf32>,
        %sub3A_383 = arith.subi %min3A_314, %add3A_379 : i32
        %lt3A_384 = vector.broadcast %sub3A_383 : i32 to vector<16xi32>
        %lt3A_385 = arith.cmpi slt, %iota3A, %lt3A_384 : vector<16xi32>
        %select_n3A_386 = arith.select %lt3A_385, %get3A_382, %broadcast_in_dim3A_15 : vector<16xi1>, vector<16xf32>
        %add3A_387 = vector.broadcast %add3A_379 : i32 to vector<16xi32>
        %add3A_388 = arith.addi %add3A_387, %iota3A : vector<16xi32>
        %select_n3A_389 = arith.select %lt3A_385, %add3A_388, %broadcast_in_dim3A_17 : vector<16xi1>, vector<16xi32>
        %masked_sort3A_390 = arith.constant dense<true> : vector<16xi1>
        %masked_sort3A_391, %masked_sort3A_392, %masked_sort3A_393 = tpu.sort %select_n3A_386, %select_n3A_389 masked %masked_sort3A_390 {descending = true} : (vector<16xf32>, vector<16xi32>, vector<16xi1>) -> (vector<16xi1>, vector<16xf32>, vector<16xi32>)
        %rev3A = arith.constant 15 : i32
        %rev3A_394 = vector.broadcast %rev3A : i32 to vector<16xi32>
        %rev3A_395 = tpu.iota {dimensions = array<i32: 0>} : vector<16xi32>
        %rev3A_396 = arith.subi %rev3A_394, %rev3A_395 : vector<16xi32>
        %rev3A_397 = tpu.dynamic_gather %masked_sort3A_392[%rev3A_396] in [0] : vector<16xf32>, vector<16xi32> -> vector<16xf32>
        %rev3A_398 = arith.constant 15 : i32
        %rev3A_399 = vector.broadcast %rev3A_398 : i32 to vector<16xi32>
        %rev3A_400 = tpu.iota {dimensions = array<i32: 0>} : vector<16xi32>
        %rev3A_401 = arith.subi %rev3A_399, %rev3A_400 : vector<16xi32>
        %rev3A_402 = tpu.dynamic_gather %masked_sort3A_393[%rev3A_401] in [0] : vector<16xi32>, vector<16xi32> -> vector<16xi32>
        %select_n3A_403 = arith.select %lt3A_14, %while3A_375, %rev3A_397 : vector<16xi1>, vector<16xf32>
        %select_n3A_404 = arith.select %lt3A_14, %while3A_376, %rev3A_402 : vector<16xi1>, vector<16xi32>
        %masked_sort3A_405 = arith.constant dense<true> : vector<16xi1>
        %masked_sort3A_406, %masked_sort3A_407, %masked_sort3A_408 = tpu.sort %select_n3A_403, %select_n3A_404 masked %masked_sort3A_405 {descending = true} : (vector<16xf32>, vector<16xi32>, vector<16xi1>) -> (vector<16xi1>, vector<16xf32>, vector<16xi32>)
        scf.yield %masked_sort3A_407, %masked_sort3A_408 : vector<16xf32>, vector<16xi32>
      }
      %while3A_369 = arith.constant 1 : i32
      %while3A_370:2 = scf.for %while3A_374 = %while3A_366 to %while3A_362 step %while3A_369 iter_args(%while3A_375 = %while3A_368#0, %while3A_376 = %while3A_368#1) -> (vector<16xf32>, vector<16xi32>)  : i32 {
        %mul3A_377 = arith.constant 16 : i32
        %mul3A_378 = arith.muli %while3A_374, %mul3A_377 : i32
        %add3A_379 = arith.addi %while3A_313, %mul3A_378 : i32
        %add3A_380 = arith.addi %add3A_379, %sub3A_155 : i32
        %get3A_381 = arith.index_cast %add3A_380 : i32 to index
        %get3A_382 = tpu.vector_load %arg7[%get3A_381] {strides = array<i32>} : memref<16416xf32, #tpu.memory_space<vmem>>, vector<16xf32>,
        %sub3A_383 = arith.subi %min3A_314, %add3A_379 : i32
        %lt3A_384 = vector.broadcast %sub3A_383 : i32 to vector<16xi32>
        %lt3A_385 = arith.cmpi slt, %iota3A, %lt3A_384 : vector<16xi32>
        %select_n3A_386 = arith.select %lt3A_385, %get3A_382, %broadcast_in_dim3A_15 : vector<16xi1>, vector<16xf32>
        %add3A_387 = vector.broadcast %add3A_379 : i32 to vector<16xi32>
        %add3A_388 = arith.addi %add3A_387, %iota3A : vector<16xi32>
        %select_n3A_389 = arith.select %lt3A_385, %add3A_388, %broadcast_in_dim3A_17 : vector<16xi1>, vector<16xi32>
        %masked_sort3A_390 = arith.constant dense<true> : vector<16xi1>
        %masked_sort3A_391, %masked_sort3A_392, %masked_sort3A_393 = tpu.sort %select_n3A_386, %select_n3A_389 masked %masked_sort3A_390 {descending = true} : (vector<16xf32>, vector<16xi32>, vector<16xi1>) -> (vector<16xi1>, vector<16xf32>, vector<16xi32>)
        %rev3A = arith.constant 15 : i32
        %rev3A_394 = vector.broadcast %rev3A : i32 to vector<16xi32>
        %rev3A_395 = tpu.iota {dimensions = array<i32: 0>} : vector<16xi32>
        %rev3A_396 = arith.subi %rev3A_394, %rev3A_395 : vector<16xi32>
        %rev3A_397 = tpu.dynamic_gather %masked_sort3A_392[%rev3A_396] in [0] : vector<16xf32>, vector<16xi32> -> vector<16xf32>
        %rev3A_398 = arith.constant 15 : i32
        %rev3A_399 = vector.broadcast %rev3A_398 : i32 to vector<16xi32>
        %rev3A_400 = tpu.iota {dimensions = array<i32: 0>} : vector<16xi32>
        %rev3A_401 = arith.subi %rev3A_399, %rev3A_400 : vector<16xi32>
        %rev3A_402 = tpu.dynamic_gather %masked_sort3A_393[%rev3A_401] in [0] : vector<16xi32>, vector<16xi32> -> vector<16xi32>
        %select_n3A_403 = arith.select %lt3A_14, %while3A_375, %rev3A_397 : vector<16xi1>, vector<16xf32>
        %select_n3A_404 = arith.select %lt3A_14, %while3A_376, %rev3A_402 : vector<16xi1>, vector<16xi32>
        %masked_sort3A_405 = arith.constant dense<true> : vector<16xi1>
        %masked_sort3A_406, %masked_sort3A_407, %masked_sort3A_408 = tpu.sort %select_n3A_403, %select_n3A_404 masked %masked_sort3A_405 {descending = true} : (vector<16xf32>, vector<16xi32>, vector<16xi1>) -> (vector<16xi1>, vector<16xf32>, vector<16xi32>)
        scf.yield %masked_sort3A_407, %masked_sort3A_408 : vector<16xf32>, vector<16xi32>
      }
      %le3A_371 = arith.constant 0 : i32
      %le3A_372 = arith.cmpi sle, %select_n3A_342, %le3A_371 : i32
      %and3A_373 = arith.andi %cond3A_303#4, %le3A_372 : i1
      scf.yield %select_n3A_299, %min3A_314, %while3A_370#0, %while3A_370#1, %and3A_373 : i32, i32, vector<16xf32>, vector<16xi32>, i1
    }
    %dma_start3A_99 = arith.constant 0 : i32
    %dma_start3A_100 = tpu.memref_slice %arg4[%dma_start3A_99, %mul3A_2] : memref<8x53248xf32, #tpu.memory_space<hbm>> -> memref<8x1664xf32, #tpu.memory_space<hbm>>
    %dma_start3A_101 = arith.constant 0 : i32
    %dma_start3A_102 = tpu.memref_slice %arg4[%dma_start3A_101, %mul3A_2] : memref<8x53248xf32, #tpu.memory_space<hbm>> -> memref<8x1664xf32, #tpu.memory_space<hbm>>
    tpu.enqueue_dma source(%arg8 : memref<8x1664xf32, #tpu.memory_space<vmem>>) target(%dma_start3A_102 : memref<8x1664xf32, #tpu.memory_space<hbm>>) target_semaphore(%arg10 : memref<!tpu.dma_semaphore, #tpu.memory_space<semaphore_mem>>)
    %dma_wait3A_103 = arith.constant 0 : i32
    %dma_wait3A_104 = tpu.memref_slice %arg4[%dma_wait3A_103, %mul3A_2] : memref<8x53248xf32, #tpu.memory_space<hbm>> -> memref<8x1664xf32, #tpu.memory_space<hbm>>
    %dma_wait3A_105 = arith.constant 0 : i32
    %dma_wait3A_106 = tpu.memref_slice %arg4[%dma_wait3A_105, %mul3A_2] : memref<8x53248xf32, #tpu.memory_space<hbm>> -> memref<8x1664xf32, #tpu.memory_space<hbm>>
    tpu.wait_dma2 semaphore(%arg10 : memref<!tpu.dma_semaphore, #tpu.memory_space<semaphore_mem>>) src(%arg8 : memref<8x1664xf32, #tpu.memory_space<vmem>>) dst(%dma_wait3A_106 : memref<8x1664xf32, #tpu.memory_space<hbm>>)
    %dma_start3A_107 = arith.constant 0 : i32
    %dma_start3A_108 = tpu.memref_slice %arg5[%dma_start3A_107, %mul3A_2] : memref<8x53248xi32, #tpu.memory_space<hbm>> -> memref<8x1664xi32, #tpu.memory_space<hbm>>
    %dma_start3A_109 = arith.constant 0 : i32
    %dma_start3A_110 = tpu.memref_slice %arg5[%dma_start3A_109, %mul3A_2] : memref<8x53248xi32, #tpu.memory_space<hbm>> -> memref<8x1664xi32, #tpu.memory_space<hbm>>
    tpu.enqueue_dma source(%arg9 : memref<8x1664xi32, #tpu.memory_space<vmem>>) target(%dma_start3A_110 : memref<8x1664xi32, #tpu.memory_space<hbm>>) target_semaphore(%arg10 : memref<!tpu.dma_semaphore, #tpu.memory_space<semaphore_mem>>)
    %dma_wait3A_111 = arith.constant 0 : i32
    %dma_wait3A_112 = tpu.memref_slice %arg5[%dma_wait3A_111, %mul3A_2] : memref<8x53248xi32, #tpu.memory_space<hbm>> -> memref<8x1664xi32, #tpu.memory_space<hbm>>
    %dma_wait3A_113 = arith.constant 0 : i32
    %dma_wait3A_114 = tpu.memref_slice %arg5[%dma_wait3A_113, %mul3A_2] : memref<8x53248xi32, #tpu.memory_space<hbm>> -> memref<8x1664xi32, #tpu.memory_space<hbm>>
    tpu.wait_dma2 semaphore(%arg10 : memref<!tpu.dma_semaphore, #tpu.memory_space<semaphore_mem>>) src(%arg9 : memref<8x1664xi32, #tpu.memory_space<vmem>>) dst(%dma_wait3A_114 : memref<8x1664xi32, #tpu.memory_space<hbm>>)
    return
  }
}

</mosaic_0001>

<sc_bundles>
// kernel: _topk_sc.3.cloned.1.call-start
scs
__scs_entry_jumppad:
0x0: {  	(pc) =	sbr.rel $0x88, $3  }
0x1: {  	(tag) =	ssettag $0x0;
	lr =	simm.s32 $0x1  }
0x2: {  	[smem:$0x3F9F] =	sst lr;
	_ =	strace $0xD0000000  }
0x3: {  	_ = 	snop  }
0x4: {  	_ = 	snop  }
0x5: {  	_ = 	snop  }
0x6: {  	_ = 	snop  }
0x7: {  	_ = 	snop  }
__scs_overlays_trampoline_lowered:
0x8: {  	[smem:$0x3FAE] =	sst s0  }
0x9: {  	[smem:$0x3FAF] =	sst s1  }
0xa: {  	[smem:$0x3FB0] =	sst s2  }
0xb: {  	[smem:$0x3FB1] =	sst s3  }
0xc: {  	[smem:$0x3FB2] =	sst s4  }
0xd: {  	[smem:$0x3FB3] =	sst s5  }
0xe: {  	[smem:$0x3FB4] =	sst s6  }
0xf: {  	[smem:$0x3FB5] =	sst s7  }
0x10: {  	[smem:$0x3FB6] =	sst s8  }
0x11: {  	[smem:$0x3FB7] =	sst s9;
	s0 =	simm.s32 @!p0 $0x0  }
0x12: {  	s1 =	sld [smem:$0x3F9D];
	s0 =	simm.s32 @p0 $0x1  }
0x13: {  	[smem:$0x3FB8] =	sst s0;
	s0 =	simm.s32 @!p1 $0x0  }
0x14: {  	s2 =	sld [smem:$0x3F9C];
	s0 =	simm.s32 @p1 $0x1  }
0x15: {  	[smem:$0x3FB9] =	sst s0;
	s0 =	simm.s32 @!p2 $0x0  }
0x16: {  	s3 =	sld [smem:$0x3FDB];
	s0 =	simm.s32 @p2 $0x1  }
0x17: {  	s4 =	simm.s32 $0x1BF5;
	[smem:$0x3FBB] =	sst s0  }
0x18: {  	s0 =	sld [smem:$0x3F9E];
	_ =	swait.ge [sflag:s4], $0x0  }
0x19: {  	s7 =	sld [smem:$0x3F9F]  }
0x1a: {  	s8 =	sadd.s32 $0xFFFFE003, lr  }
0x1b: {  	s9 =	sadd.s32 $0xFFFFFEF7, lr;
	s5 =	simm.s32 $0xFFFFFFFF;
	p2 =	slt.u32 s8, $0xFFFFF086  }
0x1c: {  	p1 =	slt.u32 s9, $0xF7A;
	s5 =	simm.s32 @!p2 $0x0  }
0x1d: {  	s5 =	simm.s32 @p1 $0x1;
	p0 =	seq.s32 s7, s2  }
0x1e: {  	s7 =	smul.u32 @!p0 $0xF7A, s2;
	p2 =	seq.s32 @!p0 s5, $0x0  }
0x1f: {  	s9 =	smul.u32 $0xF7A, s1;
	s8 =	simm.s32 @!p0 $0x1BF5;
	p2 =	por !p2, p0  }
0x20: {  	[sflag:s8] =	ssyncset.s32 @!p0 $0xFFFFF086;
	s6 =	sadd.s32 @!p0 s3, s7;
	s7 =	simm.s32 @!p0 $0x108  }
0x21: {  	s3 =	sadd.s32 s3, s9;
	s6 =	sadd.s32 @!p0 $0x88, s6;
	s7 =	simm.s32 @p2 $0x1082  }
0x22: {  	[simem:s7], [sflag:s8] =	dma.local @!p0 [hbm:s6], $0xF7A  }
0x23: {  	s9 =	sor.u32 $0xD0000000, s2;
	s6 =	simm.s32 $0x108;
	_ =	swait.ge @!p0 [sflag:s8], $0x0  }
0x24: {  	s3 =	sadd.s32 $0x88, s3;
	s6 =	simm.s32 @!p1 $0x1082;
	[sflag:s4] =	ssyncset.s32 $0xFFFFF086  }
0x25: {  	[simem:s6], [sflag:s4] =	dma.local [hbm:s3], $0xF7A  }
0x26: {  	[smem:$0x3F9F] =	sst s1;
	(tag) =	ssettag s2;
	_ =	strace s9  }
0x27: {  	s1 =	sld [smem:$0x3FAF]  }
0x28: {  	s2 =	sld [smem:$0x3FB0]  }
0x29: {  	s4 =	sld [smem:$0x3FB2]  }
0x2a: {  	p0 =	seq.s32 s5, $0x0;
	s5 =	sld [smem:$0x3FB3]  }
0x2b: {  	s6 =	sld [smem:$0x3FB4]  }
0x2c: {  	s7 =	sld [smem:$0x3FB5]  }
0x2d: {  	s3 =	simm.s32 $0x108;
	s8 =	sld [smem:$0x3FB6]  }
0x2e: {  	s3 =	simm.s32 @!p0 $0x1082;
	s9 =	sld [smem:$0x3FB7]  }
0x2f: {  	lr =	sadd.s32 s0, s3;
	s0 =	sld [smem:$0x3FAE]  }
0x30: {  	s3 =	sld [smem:$0x3FB1]  }
0x31: {  	[smem:$0x3FBA] =	sst s10  }
0x32: {  	s10 =	sld [smem:$0x3FB8];
	_ =	sdelay $0x3  }
0x33: {  	p0 =	seq.s32 s10, $0x1;
	s10 =	sld [smem:$0x3FBA];
	_ =	sdelay $0x3  }
0x34: {  	[smem:$0x3FBA] =	sst s10  }
0x35: {  	s10 =	sld [smem:$0x3FB9];
	_ =	sdelay $0x3  }
0x36: {  	p1 =	seq.s32 s10, $0x1;
	s10 =	sld [smem:$0x3FBA];
	_ =	sdelay $0x3  }
0x37: {  	[smem:$0x3FBA] =	sst s10  }
0x38: {  	s10 =	sld [smem:$0x3FBB]  }
0x39: {  	_ = 	snop;
	(pc) =	sbr.ind lr, $3  }
0x3a: {  	_ = 	snop  }
0x3b: {  	_ = 	snop  }
0x3c: {  	p2 =	seq.s32 s10, $0x1;
	s10 =	sld [smem:$0x3FBA]  }
0x3d: {  	_ =	shalt  }
0x3e: {  	_ =	shalt  }
0x3f: {  	_ =	shalt  }
0x40: {  	_ =	shalt  }
0x41: {  	_ =	shalt  }
0x42: {  	_ =	shalt  }
0x43: {  	_ =	shalt  }
0x44: {  	_ =	shalt  }
0x45: {  	_ =	shalt  }
0x46: {  	_ =	shalt  }
0x47: {  	_ =	shalt  }
0x48: {  	_ =	shalt  }
0x49: {  	_ =	shalt  }
0x4a: {  	_ =	shalt  }
0x4b: {  	_ =	shalt  }
0x4c: {  	_ =	shalt  }
0x4d: {  	_ =	shalt  }
0x4e: {  	_ =	shalt  }
0x4f: {  	_ =	shalt  }
0x50: {  	_ =	shalt  }
0x51: {  	_ =	shalt  }
0x52: {  	_ =	shalt  }
0x53: {  	_ =	shalt  }
0x54: {  	_ =	shalt  }
0x55: {  	_ =	shalt  }
0x56: {  	_ =	shalt  }
0x57: {  	_ =	shalt  }
0x58: {  	_ =	shalt  }
0x59: {  	_ =	shalt  }
0x5a: {  	_ =	shalt  }
0x5b: {  	_ =	shalt  }
0x5c: {  	_ =	shalt  }
0x5d: {  	_ =	shalt  }
0x5e: {  	_ =	shalt  }
0x5f: {  	_ =	shalt  }
0x60: {  	_ =	shalt  }
0x61: {  	_ =	shalt  }
0x62: {  	_ =	shalt  }
0x63: {  	_ =	shalt  }
0x64: {  	_ =	shalt  }
0x65: {  	_ =	shalt  }
0x66: {  	_ =	shalt  }
0x67: {  	_ =	shalt  }
0x68: {  	_ =	shalt  }
0x69: {  	_ =	shalt  }
0x6a: {  	_ =	shalt  }
0x6b: {  	_ =	shalt  }
0x6c: {  	_ =	shalt  }
0x6d: {  	_ =	shalt  }
0x6e: {  	_ =	shalt  }
0x6f: {  	_ =	shalt  }
0x70: {  	_ =	shalt  }
0x71: {  	_ =	shalt  }
0x72: {  	_ =	shalt  }
0x73: {  	_ =	shalt  }
0x74: {  	_ =	shalt  }
0x75: {  	_ =	shalt  }
0x76: {  	_ =	shalt  }
0x77: {  	_ =	shalt  }
0x78: {  	_ =	shalt  }
0x79: {  	_ =	shalt  }
0x7a: {  	_ =	shalt  }
0x7b: {  	_ =	shalt  }
0x7c: {  	_ =	shalt  }
0x7d: {  	_ =	shalt  }
0x7e: {  	_ =	shalt  }
0x7f: {  	_ =	shalt  }
0x80: {  	_ =	shalt  }
0x81: {  	_ =	shalt  }
0x82: {  	_ =	shalt  }
0x83: {  	_ =	shalt  }
0x84: {  	_ =	shalt  }
0x85: {  	_ =	shalt  }
0x86: {  	_ =	shalt  }
0x87: {  	_ =	shalt  }
.Lfunc_end0:
.L_simem_size_0:
called_computation_lowered:
.L_overlay_start_0:
0x88: {  	s2 =	sld [smem:$0x3FD9]  }
0x89: {  	s3 =	sld [smem:$0x3FFE];
	_ =	sdelay $0x1  }
0x8a: {  	s1 =	srdreg.scid  }
0x8b: {  	s0 =	sand.u32 $0x1, s1  }
0x8c: {  	s15 =	sshll.u32 s0, $0xA;
	s2 =	sadd.s32 s3, s2  }
0x8d: {  	s2 =	sadd.s32 s2, s15  }
0x8e: {  	[smem:$0x3FC6] =	sst s2  }
0x8f: {  	_ = 	snop  }
0x90: {  	s2 =	sld [smem:$0x3FD0];
	_ =	sdelay $0x1  }
0x91: {  	s16 =	sld [smem:$0x3FC9]  }
0x92: {  	s5 =	simm.s32 $0xA;
	s6 =	simm.s32 $0x10;
	s4 =	sld [smem:$0x3FC8]  }
0x93: {  	[smem:s6], [sflag:s5] =	dma.local [hbm:s2], $0x1  }
0x94: {  	_ =	swait.eq [sflag:s5], $0x1  }
0x95: {  	[sflag:s5] =	ssyncset.done $0x0  }
0x96: {  	s17 =	sld [smem:$0x10];
	[sflag:s5] =	ssyncadd.s32 $0xFFFFFFFF  }
0x97: {  	s18 =	sld [smem:$0x11];
	(tm) =	ssettm $0x1  }
0x98: {  	s19 =	sld [smem:$0x3FFB];
	_ =	sdelay $0x3  }
0x99: {  	_ =	strace s19  }
0x9a: {  	s6 =	sld [smem:$0x3FFC];
	_ =	sdelay $0x3  }
0x9b: {  	_ =	strace s6  }
0x9c: {  	s6 =	sld [smem:$0x3FFD];
	_ =	sdelay $0x3  }
0x9d: {  	_ =	strace s6  }
0x9e: {  	_ =	strace $0x8FFFFFFF  }
0x9f: {  	s20 =	sld [smem:$0x3FDB];
	_ =	sdelay $0x1  }
0xa0: {  	s7 =	simm.s32 $_scs_section_size  }
0xa1: {  	s8 =	simm.s32 $_size__tile_overlayer_lowered;
	s9 =	simm.s32 $_tile_overlayer_lowered  }
0xa2: {  	s23 =	simm.s32 $0x1BFF;
	s22 =	sshll.u32 s9, $0x1;
	s6 =	sadd.s32 s7, s20  }
0xa3: {  	s10 =	simm.s32 $0x0;
	s21 =	sshll.u32 s8, $0x1;
	s8 =	sadd.s32 s22, s6  }
0xa4: {  	[timem:s10], [sflag:s23] =	dma.local [hbm:s8], s21  }
0xa5: {  	_ =	swait.ge [sflag:s23], s21  }
0xa6: {  	s7 =	ssub.s32 $0x0, s21;
	[sflag:s23] =	ssyncset.done $0x0  }
0xa7: {  	[sflag:s23] =	ssyncadd.s32 s7;
	_ =	sdelay $0x1  }
0xa8: {  	s24 =	simm.s32 $0x1B8B  }
0xa9: {  	_ =	swait.ge [sflag:s24], $0x1  }
0xaa: {  	[sflag:s24] =	ssyncset.done $0x0  }
0xab: {  	s25 =	simm.s32 $0x1B8E;
	[sflag:s24] =	ssyncadd.s32 $0xFFFFFFFF  }
0xac: {  	s26 =	simm.s32 $execute0_lowered;
	[smem:$0x3FD2] =	sst s25  }
0xad: {  	s7 =	sshll.u32 s26, $0x1;
	_ =	strace $0x80000046;
	[dreg:$0x1] =	wrdreg $0xFFFFFFFF  }
0xae: {  	s28 =	simm.s32 $_size_execute0_lowered;
	s6 =	sadd.s32 s6, s7;
	[dreg:$0x0] =	wrdreg $0x0  }
0xaf: {  	s7 =	sshll.u32 s28, $0x1;
	[dreg:$0x2] =	wrdreg s6  }
0xb0: {  	[dreg:$0x3] =	wrdreg s7  }
0xb1: {  	[dreg:$0x4] =	wrdreg $0xC0  }
0xb2: {  	_ =	task [dreg:s10], $0x5FFFF  }
0xb3: {  	[dreg:$0x1] =	wrdreg $0xFFFFFFFF  }
0xb4: {  	[dreg:$0x0] =	wrdreg $0x60  }
0xb5: {  	[dreg:$0x2] =	wrdreg s16  }
0xb6: {  	[dreg:$0x3] =	wrdreg s4  }
0xb7: {  	[dreg:$0x4] =	wrdreg s17  }
0xb8: {  	[dreg:$0x5] =	wrdreg s18  }
0xb9: {  	[dreg:$0x6] =	wrdreg $0x9  }
0xba: {  	_ =	task.clear_ibuf [dreg:s10], $0x7FFFF;
	_ =	strace $0x90000046  }
0xbb: {  	s29 =	simm.s32 $0x9;
	_ =	strace $0x80000048  }
0xbc: {  	_ =	swait.ge [sflag:s29], $0x1  }
0xbd: {  	[sflag:s29] =	ssyncadd.s32 $0xFFFFFFFF  }
0xbe: {  	_ =	strace $0x90000048  }
0xbf: {  	_ =	sfence  }
0xc0: {  	s30 =	sld [smem:$0x0];
	_ =	sdelay $0x2  }
0xc1: {  	s31 =	sshll.u32 s1, $0xD;
	s1 =	sshrl.u32 s1, $0x2  }
0xc2: {  	s3 =	sand.u32 $0x4000, s31;
	s1 =	sadd.s32 s1, s30  }
0xc3: {  	s0 =	sor.u32 s3, s0;
	s1 =	sshll.u32 s1, $0x11  }
0xc4: {  	s0 =	sor.u32 s1, s0  }
0xc5: {  	s0 =	sadd.s32 $0x8F2B, s0  }
0xc6: {  	[sflag:s0] =	ssyncadd.remote.s32 $0x1  }
0xc7: {  	_ =	sfence.sel $0xFFFF  }
0xc8: {  	[dreg:$0x0] =	wrdreg $0xFFFFFFFF;
	(pc) =	sbr.abs _section_cstart, $3  }
0xc9: {  	[dreg:$0x1] =	wrdreg $0xFFFFFFFF  }
0xca: {  	_ =	task.clear_ibuf [dreg:s10], $0x2FFFF;
	_ =	strace $0x9FFFFFFF  }
0xcb: {  	(tm) =	ssettm $0x7FFFFFFF  }
tec
execute0_lowered:
.L_overlay_start_1:
0x0: {  	(tag) =	ssettag $0x1  }
0x1: {  	v0 =	vimm.s32 $0x3780;
	vm0 =	vcmask $0x300  }
0x2: {  	v0 =	vsel vm0, $0x0, v0;
	vm0 =	vcmask $0x704  }
0x3: {  	v0 =	vsel vm0, $0x80, v0;
	vm0 =	vcmask $0xB08  }
0x4: {  	v0 =	vsel vm0, $0x100, v0;
	vm0 =	vcmask $0xF0C  }
0x5: {  	v0 =	vsel vm0, $0x180, v0;
	vm0 =	vcmask $0x1310  }
0x6: {  	s1 =	rddreg [dreg:$0x0];
	v0 =	vsel vm0, $0x200, v0;
	vm0 =	vcmask $0x1714  }
0x7: {  	s0 =	rddreg [dreg:$0x1];
	v0 =	vsel vm0, $0x280, v0;
	vm0 =	vcmask $0x1B18  }
0x8: {  	s3 =	srdreg.scid;
	s6 =	stileid.u32;
	v0 =	vsel vm0, $0x300, v0;
	vm0 =	vcmask $0x1F1C  }
0x9: {  	s2 =	rddreg [dreg:$0x2];
	s5 =	sand.u32 $0x1, s3;
	s30 =	sshll.u32 s6, $0x1;
	v0 =	vsel vm0, $0x380, v0;
	vm0 =	vcmask $0x2320  }
0xa: {  	s4 =	rddreg [dreg:$0x3];
	s10 =	simm.s32 $0x4780;
	s6 =	sor.u32 s5, s30;
	v0 =	vsel vm0, $0x3400, v0;
	vm0 =	vcmask $0x2724  }
0xb: {  	s11 =	simm.s32 $0x7B80;
	s12 =	simm.s32 $0x0;
	s7 =	smul.u32 $0xD0, s6;
	v1 =	vsel vm0, $0x3480, v0;
	vm0 =	vcmask $0x2B28  }
.Ltmp0:
0xc: {  	s3 =	simm.s32 $0x0;
	s5 =	ssub.s32 $0x2, s5;
	v0 =	vlaneseq.u32;
	v1 =	vsel vm0, $0x3500, v1;
	vm0 =	vcmask $0x2F2C;
	(pc) =	sbr.rel .LBB2_1-.Ltmp0, $4  }
0xd: {  	[smem:$0x7FF] =	sst s3;
	s8 =	sshrl.u32 s5, $0x1;
	s6 =	smul.u32 $0x680, s6;
	v2 =	vmul.u32 $0xFFFFFFFF, v0;
	v1 =	vsel vm0, $0x3580, v1;
	vm0 =	vcmask $0x3330  }
0xe: {  	_ =	strace $0x80000047;
	s5 =	ssub.s32 s5, s8;
	s1 =	sadd.s32 s1, s7;
	v3 =	vsel vm0, $0x3600, v1;
	vm0 =	vcmask $0x3734  }
0xf: {  	vm1 =	vcmask $0x3B38;
	s8 =	simm.s32 $0x1;
	s31 =	sadd.s32 s2, s6;
	[dreg:$0x5] =	wrdreg s1;
	v1 =	vadd.s32 $0xF, v2;
	v2 =	vsel vm0, $0x3680, v3  }
0x10: {  	s6 =	sadd.s32 s4, s6;
	s7 =	smax.u32 s5, $0x1;
	[dreg:$0x6] =	wrdreg s31;
	vm0 =	vmmov $0xff;
	v2 =	vsel vm1, $0x3700, v2;
	vm1 =	vmxor vm1, vm1  }
.LBB2_34:
0x11: {  	s1 =	rddreg [dreg:$0x6]  }
0x12: {  	[hbm4b:s1+s3] =	stream.linear.scatter [tilespmem:s10], [sflag:$0x1], $0x3400, $0x38;
	[tilespmem:$0xAF80] =	vst v63  }
0x13: {  	s12 =	sadd.s32 $0x1, s12;
	_ =	swait.ge [sflag:s8], $0x3400  }
0x14: {  	p0 =	sne.s32 s12, s7;
	[sflag:s8] =	ssyncset.done $0x0  }
.Ltmp1:
0x15: {  	[sflag:s8] =	ssyncadd.s32 $0xFFFFCC00;
	(pc) =	sbr.rel @!p0 .LBB2_35-.Ltmp1, $4  }
0x16: {  	[hbm4b:s6+s3] =	stream.linear.scatter [tilespmem:s11], [sflag:$0x1], $0x3400, $0x38;
	[tilespmem:$0xAF80] =	vst v63  }
0x17: {  	_ =	swait.ge [sflag:s8], $0x3400  }
0x18: {  	[sflag:s8] =	ssyncset.done $0x0  }
0x19: {  	[sflag:s8] =	ssyncadd.s32 $0xFFFFCC00  }
.LBB2_1:
0x1a: {  	s1 =	rddreg [dreg:$0x5]  }
0x1b: {  	[tilespmem:s3], [sflag:$0x1] =	stream.linear.gather [hbm4b:s1+s3], $0x688, $0x38;
	[tilespmem:$0xAF80] =	vst v63  }
0x1c: {  	_ =	swait.ge [sflag:s8], $0x688  }
0x1d: {  	[sflag:s8] =	ssyncset.done $0x0  }
0x1e: {  	[sflag:s8] =	ssyncadd.s32 $0xFFFFF978  }
0x1f: {  	v3 =	vld [tilespmem:$0x0];
	_ =	sdelay $0x4  }
0x20: {  	(v2sf) =	vpush v3, $0x0;
	_ =	sdelay $0x1  }
0x21: {  	v3 =	vld [tilespmem:$0x680];
	_ =	sdelay $0x4  }
0x22: {  	(v2sf) =	vpush v3, $0x0;
	_ =	sdelay $0x7  }
0x23: {  	s25 =	spop (v2sf)  }
0x24: {  	s26 =	sand.u32 $0x7, s25  }
0x25: {  	s2 =	sshra.s32 s25, $0x1F;
	p0 =	slt.s32 s25, $0x1;
	p1 =	sne.s32 s26, $0x0  }
0x26: {  	s28 =	sshrl.u32 s2, $0x1D;
	p0 =	por !p0, !p1  }
0x27: {  	s2 =	simm.s32 $0x1;
	s1 =	sadd.s32 s28, s25;
	p0 =	por !p0, !p0  }
0x28: {  	s1 =	sshrl.u32 s1, $0x3;
	s2 =	simm.s32 @!p0 $0x0  }
0x29: {  	s1 =	ssub.s32 s1, s2  }
0x2a: {  	s13 =	spop (v2sf);
	s14 =	sshll.u32 s1, $0x3  }
0x2b: {  	s1 =	ssub.s32 s13, s14  }
0x2c: {  	s31 =	simm.s32 $0x700;
	p1 =	slt.s32 s14, $0x184A00;
	s1 =	sadd.s32 $0x1FFF, s1  }
0x2d: {  	s29 =	sshra.s32 s1, $0x1F;
	s4 =	sand.u32 $0x1FFF, s1;
	p5 =	slt.s32 s1, $0x1  }
0x2e: {  	s2 =	sshrl.u32 s29, $0x13;
	p6 =	sne.s32 s4, $0x0;
	s4 =	simm.s32 $0x1  }
0x2f: {  	s1 =	sadd.s32 s2, s1;
	p0 =	por !p5, !p6;
	s2 =	smov.u32 s14  }
0x30: {  	p0 =	por !p0, !p0;
	s2 =	simm.s32 @!p1 $0x184A00;
	s1 =	sshra.s32 s1, $0xD  }
.Ltmp2:
0x31: {  	s4 =	simm.s32 @!p0 $0x0;
	s2 =	sshrl.u32 s2, $0x3;
	(pc) =	sbr.rel .LBB2_2-.Ltmp2, $4  }
0x32: {  	s20 =	simm.s32 $0x0;
	s15 =	ssub.s32 s1, s4;
	s30 =	sadd.s32 s0, s2  }
0x33: {  	[tilespmem:s31], [sflag:$0x1] =	stream.linear.gather [hbm4b:s30+s3], $0x2000, $0x38;
	[tilespmem:$0xAF80] =	vst v63  }
0x34: {  	s18 =	simm.s32 $0x0;
	p0 =	sgt.s32 s15, $0x1;
	s16 =	smov.u32 s15  }
0x35: {  	v4 =	vimm.f32 $-Inf;
	v3 =	vimm.s32 $0xFFFFFFFF;
	s17 =	smov.u32 s14;
	s16 =	simm.s32 @!p0 $0x1;
	p0 =	por $0x1, $0x1  }
.LBB2_27:
0x36: {  	s1 =	smov.u32 s2;
	s9 =	smov.u32 s21  }
.LBB2_32:
0x37: {  	s1 =	sadd.s32 @p1 $0xFFFFFFF0, s1  }
0x38: {  	v7, v8, _ =	vpop @p1 (xrf1);
	s2 =	smov.u32 @p1 s1;
	s1 =	sadd.s32 @p1 $0x10, s9  }
0x39: {  	v7 =	vperm.xlane @p1 v7, v1;
	v8 =	vperm.xlane @p1 v8, v1;
	v9, v10, _ =	vpop @p2 (xrf1);
	v6 =	vmov s2;
	s21 =	smov.u32 @p1 s1  }
0x3a: {  	v9 =	vpsel p2, v9, v4;
	vm2 =	vgt.s32 v6, v0;
	v6 =	vadd.s32 s21, v0  }
0x3b: {  	v10 =	vpsel p2, v10, v3;
	v6 =	vnsel vm2, $0xFFFFFFFF, v6;
	v5 =	vnsel vm2, $0xFF800000, v5  }
0x3c: {  	(xrf1) =	vsort.dscd.msk.f32 $0xffff, v5, v6;
	v5 =	vsel @p1 vm0, v9, v7;
	v6 =	vsel @p1 vm0, v10, v8  }
0x3d: {  	(xrf1) =	vsort.dscd.msk.f32 @p1 $0xffff, v5, v6;
	_ =	sdelay $0xc  }
0x3e: {  	v5, v6, _ =	vpop (xrf1)  }
0x3f: {  	v5 =	vperm.xlane v5, v1;
	v6 =	vperm.xlane v6, v1;
	v7, v8, _ =	vpop @p1 (xrf1)  }
0x40: {  	v4 =	vpsel p1, v7, v4;
	v3 =	vpsel p1, v8, v3  }
0x41: {  	v4 =	vsel vm0, v4, v5;
	v3 =	vsel vm0, v3, v6  }
0x42: {  	(xrf1) =	vsort.dscd.msk.f32 $0xffff, v4, v3;
	_ =	sdelay $0xd  }
0x43: {  	v4, v3, _ =	vpop (xrf1)  }
.LBB2_33:
0x44: {  	p1 =	slt.s32 s20, $0x1  }
0x45: {  	p0 =	por !p0, !p1;
	p1 =	sne.s32 s18, s16  }
.Ltmp3:
0x46: {  	_ = 	snop;
	(pc) =	sbr.rel @!p1 .LBB2_34-.Ltmp3, $2  }
0x47: {  	_ =	sdelay $0x2  }
0x48: {  	s17 =	sadd.s32 $0x2000, s17;
	s20 =	smov.u32 s19;
	p0 =	por !p0, !p0  }
.LBB2_2:
0x49: {  	s1 =	sshll.u32 s18, $0xD;
	s22 =	sand.u32 $0x1, s18;
	s18 =	sadd.s32 $0x1, s18  }
0x4a: {  	p1 =	sle.s32 s15, s18  }
0x4b: {  	s2 =	sshll.u32 @!p1 s18, $0xD  }
0x4c: {  	s2 =	sadd.s32 @!p1 s14, s2  }
0x4d: {  	_ =	swait.ge [sflag:s8], $0x2000;
	p2 =	slt.s32 @!p1 s2, $0x184A00  }
0x4e: {  	[sflag:s8] =	ssyncset.done $0x0;
	s4 =	sand.u32 @!p1 $0x1, s18;
	p2 =	por !p2, p1  }
0x4f: {  	[sflag:s8] =	ssyncadd.s32 $0xFFFFE000;
	s2 =	simm.s32 @p2 $0x184A00;
	p2 =	seq.s32 @!p1 s4, $0x1  }
0x50: {  	s4 =	simm.s32 @!p1 $0x2710;
	p2 =	por !p2, p1;
	s2 =	sshrl.u32 @!p1 s2, $0x3  }
0x51: {  	s5 =	simm.s32 @!p1 $0x0;
	s4 =	simm.s32 @p2 $0x700;
	s2 =	sadd.s32 @!p1 s0, s2  }
0x52: {  	[tilespmem:s4], [sflag:$0x1] =	stream.linear.gather @!p1 [hbm4b:s2+s5], $0x2000, $0x38;
	[tilespmem:$0xAF80] =	vst v63  }
0x53: {  	v5 =	vld [tilespmem:$0x400];
	_ =	sdelay $0x4  }
0x54: {  	(v2sf) =	vpush v5, $0x0;
	_ =	sdelay $0xb  }
0x55: {  	s26 =	sadd.s32 s14, s1  }
0x56: {  	p1 =	slt.s32 s26, $0x184A00  }
0x57: {  	s26 =	simm.s32 @!p1 $0x184A00  }
0x58: {  	s21 =	sadd.s32 $0x2000, s26;
	s5 =	spop (v2sf)  }
0x59: {  	s1 =	simm.s32 $0x0;
	p1 =	sgt.s32 s5, s21  }
0x5a: {  	s1 =	simm.s32 @!p1 $0x400  }
0x5b: {  	v5 =	vld [tilespmem:s1+$0x200];
	_ =	sdelay $0x4  }
0x5c: {  	(v2sf) =	vpush v5, $0x0;
	_ =	sdelay $0xe  }
0x5d: {  	s9 =	spop (v2sf)  }
0x5e: {  	s19 =	sor.u32 $0x200, s1;
	p1 =	sgt.s32 s9, s21  }
0x5f: {  	s19 =	smov.u32 @p1 s1  }
0x60: {  	s1 =	sor.u32 $0x100, s19  }
0x61: {  	s23 =	smin.u32 s1, $0x680  }
0x62: {  	v5 =	vld [tilespmem:s23+$0x0];
	_ =	sdelay $0x4  }
0x63: {  	(v2sf) =	vpush v5, $0x0;
	_ =	sdelay $0xe  }
0x64: {  	s4 =	smov.u32 s19;
	p1 =	slt.u32 s1, $0x681;
	s24 =	spop (v2sf)  }
0x65: {  	s4 =	smov.u32 @p1 s1;
	p2 =	sle.s32 s24, s21  }
0x66: {  	s19 =	smov.u32 @p2 s4  }
0x67: {  	s1 =	sor.u32 $0x80, s19  }
0x68: {  	s28 =	smin.u32 s1, $0x680  }
0x69: {  	v5 =	vld [tilespmem:s28+$0x0];
	_ =	sdelay $0x4  }
0x6a: {  	(v2sf) =	vpush v5, $0x0;
	_ =	sdelay $0xe  }
0x6b: {  	s4 =	smov.u32 s19;
	p1 =	slt.u32 s1, $0x681;
	s31 =	spop (v2sf)  }
0x6c: {  	s4 =	smov.u32 @p1 s1;
	p2 =	sle.s32 s31, s21  }
0x6d: {  	s19 =	smov.u32 @p2 s4  }
0x6e: {  	s1 =	sadd.s32 $0x40, s19  }
0x6f: {  	s5 =	smin.u32 s1, $0x680  }
0x70: {  	v5 =	vld [tilespmem:s5+$0x0];
	_ =	sdelay $0x4  }
0x71: {  	(v2sf) =	vpush v5, $0x0;
	_ =	sdelay $0xe  }
0x72: {  	p1 =	slt.u32 s19, $0x641;
	s4 =	smov.u32 s19;
	s9 =	spop (v2sf)  }
0x73: {  	s4 =	smov.u32 @p1 s1;
	p2 =	sle.s32 s9, s21  }
0x74: {  	s19 =	smov.u32 @p2 s4  }
0x75: {  	s1 =	sadd.s32 $0x20, s19  }
0x76: {  	s23 =	smin.u32 s1, $0x680  }
0x77: {  	v5 =	vld [tilespmem:s23+$0x0];
	_ =	sdelay $0x4  }
0x78: {  	(v2sf) =	vpush v5, $0x0;
	_ =	sdelay $0xe  }
0x79: {  	p1 =	slt.u32 s19, $0x661;
	s4 =	smov.u32 s19;
	s24 =	spop (v2sf)  }
0x7a: {  	s4 =	smov.u32 @p1 s1;
	p2 =	sle.s32 s24, s21  }
0x7b: {  	s19 =	smov.u32 @p2 s4  }
0x7c: {  	s1 =	sadd.s32 $0x10, s19  }
0x7d: {  	s28 =	smin.u32 s1, $0x680  }
0x7e: {  	v5 =	vld [tilespmem:s28+$0x0];
	_ =	sdelay $0x4  }
0x7f: {  	(v2sf) =	vpush v5, $0x0;
	_ =	sdelay $0xe  }
0x80: {  	p1 =	slt.u32 s19, $0x671;
	s4 =	smov.u32 s19;
	s31 =	spop (v2sf)  }
0x81: {  	s4 =	smov.u32 @p1 s1;
	p2 =	sle.s32 s31, s21  }
0x82: {  	s19 =	smov.u32 @p2 s4  }
0x83: {  	s1 =	sadd.s32 $0x8, s19  }
0x84: {  	s4 =	smin.u32 s1, $0x680  }
0x85: {  	v5 =	vld [tilespmem:s4+$0x0];
	_ =	sdelay $0x4  }
0x86: {  	(v2sf) =	vpush v5, $0x0;
	_ =	sdelay $0xe  }
0x87: {  	p1 =	slt.u32 s19, $0x679;
	s4 =	smov.u32 s19;
	s5 =	spop (v2sf)  }
0x88: {  	s4 =	smov.u32 @p1 s1;
	p2 =	sle.s32 s5, s21  }
0x89: {  	s19 =	smov.u32 @p2 s4  }
0x8a: {  	s1 =	sadd.s32 $0x4, s19  }
0x8b: {  	s9 =	smin.u32 s1, $0x680  }
0x8c: {  	v5 =	vld [tilespmem:s9+$0x0];
	_ =	sdelay $0x4  }
0x8d: {  	(v2sf) =	vpush v5, $0x0;
	_ =	sdelay $0xe  }
0x8e: {  	p1 =	slt.u32 s19, $0x67D;
	s4 =	smov.u32 s19;
	s23 =	spop (v2sf)  }
0x8f: {  	s4 =	smov.u32 @p1 s1;
	p2 =	sle.s32 s23, s21  }
0x90: {  	s19 =	smov.u32 @p2 s4  }
0x91: {  	s1 =	sadd.s32 $0x2, s19  }
0x92: {  	s24 =	smin.u32 s1, $0x680  }
0x93: {  	v5 =	vld [tilespmem:s24+$0x0];
	_ =	sdelay $0x4  }
0x94: {  	(v2sf) =	vpush v5, $0x0;
	_ =	sdelay $0xe  }
0x95: {  	p1 =	slt.u32 s19, $0x67F;
	s4 =	smov.u32 s19;
	s28 =	spop (v2sf)  }
0x96: {  	s4 =	smov.u32 @p1 s1;
	p2 =	sle.s32 s28, s21  }
0x97: {  	s19 =	smov.u32 @p2 s4  }
0x98: {  	s29 =	sadd.s32 $0x1, s19  }
0x99: {  	s31 =	smin.u32 s29, $0x680  }
0x9a: {  	v5 =	vld [tilespmem:s31+$0x0];
	_ =	sdelay $0x4  }
0x9b: {  	(v2sf) =	vpush v5, $0x0;
	_ =	sdelay $0xa  }
.Ltmp4:
0x9c: {  	_ = 	snop;
	(pc) =	sbr.rel @!p0 .LBB2_4-.Ltmp4, $4  }
0x9d: {  	p1 =	slt.s32 s17, $0x184A00;
	s1 =	smov.u32 s17  }
0x9e: {  	s1 =	simm.s32 @!p1 $0x184A00;
	p1 =	seq.s32 s22, $0x1;
	s24 =	simm.s32 $0x2010  }
0x9f: {  	s23 =	sshll.u32 s1, $0x2;
	s24 =	simm.s32 @!p1 $0x0  }
0xa0: {  	s22 =	sadd.s32 $0x2000, s1;
	s26 =	ssub.s32 s24, s26;
	s30 =	spop (v2sf)  }
.Ltmp5:
0xa1: {  	(pc) =	sbr.rel .LBB2_13-.Ltmp5, $2  }
0xa2: {  	_ =	sdelay $0x2  }
0xa3: {  	s28 =	smov.u32 s25;
	p0 =	por $0x1, $0x1  }
.LBB2_4:
0xa4: {  	v5 =	vld [tilespmem:s20+$0x1];
	_ =	sdelay $0x4  }
0xa5: {  	(v2sf) =	vpush v5, $0x0;
	_ =	sdelay $0xe  }
0xa6: {  	s1 =	sadd.s32 s26, s25;
	s31 =	spop (v2sf)  }
0xa7: {  	s28 =	smov.u32 s21;
	v5 =	vld [tilespmem:s1+$0x700];
	p0 =	slt.s32 s31, s21  }
0xa8: {  	s28 =	smov.u32 @p0 s31  }
0xa9: {  	s5 =	ssub.s32 s28, s25  }
0xaa: {  	v6 =	vmov s5  }
0xab: {  	vm2 =	vgt.s32 v6, v0;
	v6 =	vadd.s32 s25, v0  }
0xac: {  	v5 =	vnsel vm2, $0xFF800000, v5;
	v6 =	vnsel vm2, $0xFFFFFFFF, v6  }
0xad: {  	(xrf1) =	vsort.dscd.msk.f32 $0xffff, v5, v6;
	_ =	sdelay $0xd  }
0xae: {  	v5, v6, _ =	vpop (xrf1)  }
0xaf: {  	v5 =	vperm.xlane v5, v1;
	v6 =	vperm.xlane v6, v1;
	_ =	sdelay $0x1  }
0xb0: {  	v4 =	vsel vm0, v4, v5;
	v3 =	vsel vm0, v3, v6  }
0xb1: {  	(xrf1) =	vsort.dscd.msk.f32 $0xffff, v4, v3;
	_ =	sdelay $0x1  }
0xb2: {  	s1 =	sadd.s32 $0xF, s5  }
0xb3: {  	s2 =	sand.u32 $0xF, s1  }
0xb4: {  	s4 =	sshra.s32 s1, $0x1F;
	p6 =	slt.s32 s1, $0x1;
	p1 =	sne.s32 s2, $0x0  }
0xb5: {  	s9 =	sshrl.u32 s4, $0x1C;
	p0 =	por !p6, !p1  }
0xb6: {  	s2 =	simm.s32 $0x1;
	s1 =	sadd.s32 s9, s1;
	p0 =	por !p0, !p0  }
0xb7: {  	s1 =	sshra.s32 s1, $0x4;
	s2 =	simm.s32 @!p0 $0x0  }
0xb8: {  	s2 =	ssub.s32 s1, s2  }
0xb9: {  	p1 =	slt.s32 s2, $0x2  }
.Ltmp6:
0xba: {  	_ = 	snop;
	(pc) =	sbr.rel @p1 .LBB2_12-.Ltmp6, $2  }
0xbb: {  	_ =	sdelay $0x2  }
0xbc: {  	v4, v3, _ =	vpop (xrf1)  }
0xbd: {  	s5 =	simm.s32 $0xFFFFFFFF  }
0xbe: {  	s5 =	simm.s32 @!p0 $0x0  }
0xbf: {  	s1 =	sadd.s32 s5, s1  }
0xc0: {  	s5 =	sadd.s32 $0xFFFFFFFF, s1  }
0xc1: {  	s2 =	sshll.u32 s24, $0x2;
	s4 =	sshll.u32 s25, $0x2;
	p2 =	sne.s32 s5, $0x1  }
.Ltmp7:
0xc2: {  	s2 =	sadd.s32 s4, s2;
	(pc) =	sbr.rel @!p2 .LBB2_6-.Ltmp7, $4  }
0xc3: {  	p0 =	slt.s32 s31, s22;
	s4 =	smov.u32 s22;
	s2 =	ssub.s32 s2, s23  }
0xc4: {  	s9 =	sadd.s32 $0x10, s25;
	s4 =	smov.u32 @p0 s31;
	s2 =	sshra.s32 s2, $0x2  }
0xc5: {  	p1 =	por $0x0, $0x0;
	s4 =	ssub.s32 s4, s25;
	s2 =	sadd.s32 $0x710, s2  }
0xc6: {  	p0 =	por $0x0, $0x0;
	s1 =	sadd.s32 $0xFFFFFFF0, s4;
	s5 =	sadd.s32 $0xFFFFFFFF, s5;
	v5 =	vld [tilespmem:s2+$0x0]  }
0xc7: {  	p2 =	sne.s32 s5, $0x1  }
.Ltmp8:
0xc8: {  	_ = 	snop;
	(pc) =	sbr.rel @!p2 .LBB2_8-.Ltmp8, $4  }
0xc9: {  	v6 =	vmov s1  }
0xca: {  	vm2 =	vgt.s32 v6, v0;
	v6 =	vadd.s32 s9, v0  }
0xcb: {  	s4 =	sadd.s32 $0x10, s2;
	v6 =	vnsel vm2, $0xFFFFFFFF, v6;
	v5 =	vnsel vm2, $0xFF800000, v5  }
0xcc: {  	s5 =	sadd.s32 $0xFFFFFFFF, s5;
	p0 =	por $0x1, $0x1;
	(xrf1) =	vsort.dscd.msk.f32 $0xffff, v5, v6;
	v5 =	vld [tilespmem:s4+$0x0]  }
0xcd: {  	_ =	sdelay $0x8  }
0xce: {  	s2 =	sadd.s32 $0xFFFFFFF0, s1  }
0xcf: {  	v6 =	vmov s2  }
0xd0: {  	s25 =	sadd.s32 $0x10, s9  }
0xd1: {  	v8 =	vadd.s32 s25, v0;
	vm2 =	vgt.s32 v6, v0  }
0xd2: {  	v8 =	vnsel vm2, $0xFFFFFFFF, v8;
	v6, v7, _ =	vpop (xrf1)  }
0xd3: {  	v5 =	vnsel vm2, $0xFF800000, v5;
	v6 =	vperm.xlane v6, v1;
	v7 =	vperm.xlane v7, v1  }
0xd4: {  	(xrf1) =	vsort.dscd.msk.f32 $0xffff, v5, v8  }
0xd5: {  	v5 =	vsel vm0, v4, v6;
	v6 =	vsel vm0, v3, v7  }
0xd6: {  	(xrf1) =	vsort.dscd.msk.f32 $0xffff, v5, v6;
	_ =	sdelay $0x2  }
0xd7: {  	p2 =	sne.s32 s5, $0x1  }
.Ltmp9:
0xd8: {  	_ = 	snop;
	(pc) =	sbr.rel @!p2 .LBB2_11-.Ltmp9, $3  }
0xd9: {  	_ =	sdelay $0x1  }
0xda: {  	s4 =	sadd.s32 $0x10, s4  }
0xdb: {  	s5 =	sadd.s32 $0xFFFFFFFF, s5;
	p1 =	por $0x1, $0x1;
	v5 =	vld [tilespmem:s4+$0x0]  }
.LBB2_10:
0xdc: {  	p2 =	sne.s32 s5, $0x1;
	s2 =	sadd.s32 $0xFFFFFFF0, s2  }
0xdd: {  	s25 =	sadd.s32 $0x10, s25;
	v6 =	vmov s2  }
0xde: {  	vm2 =	vgt.s32 v6, v0;
	v6 =	vadd.s32 s25, v0  }
0xdf: {  	v10 =	vnsel vm2, $0xFFFFFFFF, v6;
	v7, v8, _ =	vpop (xrf1)  }
0xe0: {  	v9 =	vnsel vm2, $0xFF800000, v5;
	v7 =	vperm.xlane v7, v1;
	v8 =	vperm.xlane v8, v1  }
0xe1: {  	(xrf1) =	vsort.dscd.msk.f32 $0xffff, v9, v10;
	v6, v5, _ =	vpop (xrf1)  }
0xe2: {  	v6 =	vsel vm0, v6, v7;
	v5 =	vsel vm0, v5, v8  }
0xe3: {  	(xrf1) =	vsort.dscd.msk.f32 $0xffff, v6, v5;
	_ =	sdelay $0x3  }
.Ltmp10:
0xe4: {  	(pc) =	sbr.rel @p2 .LBB2_10-.Ltmp10, $3  }
0xe5: {  	_ =	sdelay $0x1  }
0xe6: {  	s4 =	sadd.s32 $0x10, s4  }
0xe7: {  	s5 =	sadd.s32 $0xFFFFFFFF, s5;
	v5 =	vld [tilespmem:s4+$0x0]  }
.LBB2_11:
0xe8: {  	_ = 	snop  }
0xe9: {  	s2 =	sadd.s32 @p0 $0xFFFFFFF0, s2  }
0xea: {  	s1 =	smov.u32 @p0 s2;
	s2 =	sadd.s32 @p0 $0x10, s25  }
0xeb: {  	v6 =	vmov s1;
	s9 =	smov.u32 @p0 s2  }
0xec: {  	vm2 =	vgt.s32 v6, v0;
	v6 =	vadd.s32 s9, v0;
	v7, v8, _ =	vpop @p0 (xrf1)  }
0xed: {  	v6 =	vnsel vm2, $0xFFFFFFFF, v6;
	v7 =	vperm.xlane @p0 v7, v1;
	v8 =	vperm.xlane @p0 v8, v1;
	v9, v10, _ =	vpop @p1 (xrf1)  }
0xee: {  	v5 =	vnsel vm2, $0xFF800000, v5;
	v9 =	vpsel p1, v9, v4;
	v10 =	vpsel p1, v10, v3  }
0xef: {  	(xrf1) =	vsort.dscd.msk.f32 $0xffff, v5, v6;
	v5 =	vsel @p0 vm0, v9, v7;
	v6 =	vsel @p0 vm0, v10, v8  }
0xf0: {  	(xrf1) =	vsort.dscd.msk.f32 @p0 $0xffff, v5, v6;
	_ =	sdelay $0xc  }
0xf1: {  	v5, v6, _ =	vpop (xrf1)  }
0xf2: {  	v5 =	vperm.xlane v5, v1;
	v6 =	vperm.xlane v6, v1;
	v7, v8, _ =	vpop @p0 (xrf1)  }
0xf3: {  	v4 =	vpsel p0, v7, v4;
	v3 =	vpsel p0, v8, v3  }
0xf4: {  	v4 =	vsel vm0, v4, v5;
	v3 =	vsel vm0, v3, v6  }
0xf5: {  	(xrf1) =	vsort.dscd.msk.f32 $0xffff, v4, v3;
	_ =	sdelay $0xd  }
0xf6: {  	v4, v3, _ =	vpop (xrf1)  }
.LBB2_12:
0xf7: {  	v5 =	vmov s20  }
0xf8: {  	p0 =	sle.s32 s31, s21;
	vm2 =	vmmov vm1;
	v6 =	vshll.u32 v5, $0x3  }
0xf9: {  	vm2 =	vmneg @p0 vm2;
	v5 =	vand.u32 $0x7F, v5;
	v6 =	vand.u32 $0xFFFFFC00, v6  }
0xfa: {  	vm2 =	vmand vm2, vm0;
	v5 =	vor.u32 v5, v6  }
0xfb: {  	v5 =	vadd.s32 v2, v5;
	_ =	sdelay $0x3  }
0xfc: {  	s1 =	simm.s32 $0x1  }
0xfd: {  	s1 =	simm.s32 @!p0 $0x0;
	[tilespmem:v5+s10+$0x0] =	vst.idx.msk vm2, v4  }
0xfe: {  	s20 =	sadd.s32 s1, s20;
	v4 =	vpsel p0, $0xFF800000, v4;
	[tilespmem:v5+s11+$0x0] =	vst.idx.msk vm2, v3;
	v3 =	vpsel p0, $0xFFFFFFFF, v3  }
.LBB2_13:
0xff: {  	p1 =	slt.u32 s19, $0x680;
	s1 =	smov.u32 s19  }
0x100: {  	p2 =	sle.s32 s30, s21;
	s1 =	smov.u32 @p1 s29  }
0x101: {  	s19 =	smov.u32 @p2 s1  }
0x102: {  	p1 =	sge.s32 s20, s19  }
.Ltmp11:
0x103: {  	_ = 	snop;
	(pc) =	sbr.rel @p1 .LBB2_14-.Ltmp11, $1  }
0x104: {  	_ =	sdelay $0x3  }
.Ltmp12:
0x105: {  	(pc) =	sbr.rel .LBB2_16-.Ltmp12, $4  }
0x106: {  	s1 =	sshll.u32 s24, $0x2  }
0x107: {  	s1 =	ssub.s32 s1, s23  }
0x108: {  	s2 =	sadd.s32 $0x700, s26;
	s1 =	sshra.s32 s1, $0x2  }
0x109: {  	v5 =	vmov s2;
	s25 =	sadd.s32 $0x710, s1  }
.LBB2_14:
0x10a: {  	s29 =	smov.u32 s28  }
.LBB2_25:
0x10b: {  	s1 =	sadd.s32 s26, s29  }
0x10c: {  	p1 =	slt.s32 s21, s13;
	s25 =	smov.u32 s13;
	v5 =	vld [tilespmem:s1+$0x700]  }
0x10d: {  	s25 =	smov.u32 @p1 s21  }
0x10e: {  	s30 =	ssub.s32 s25, s29  }
0x10f: {  	v6 =	vmov s30  }
0x110: {  	vm2 =	vgt.s32 v6, v0;
	v6 =	vadd.s32 s29, v0  }
0x111: {  	v6 =	vnsel vm2, $0xFFFFFFFF, v6;
	v5 =	vnsel vm2, $0xFF800000, v5  }
0x112: {  	(xrf1) =	vsort.dscd.msk.f32 $0xffff, v5, v6;
	_ =	sdelay $0xa  }
0x113: {  	v5 =	vlaneseq.u32 @!p0  }
0x114: {  	v5 =	vmul.u32 @!p0 $0xFFFFFFFF, v5;
	_ =	sdelay $0x1  }
0x115: {  	v5 =	vadd.s32 @!p0 $0xF, v5;
	v6, v7, _ =	vpop (xrf1)  }
0x116: {  	v8 =	vperm.xlane @!p0 v6, v5;
	v5 =	vperm.xlane @!p0 v7, v5  }
0x117: {  	vm2 =	vmmov @!p0 $0xff  }
0x118: {  	v4 =	vsel @!p0 vm2, v4, v8;
	v3 =	vsel @!p0 vm2, v3, v5  }
0x119: {  	(xrf1) =	vsort.dscd.msk.f32 @!p0 $0xffff, v4, v3;
	_ =	sdelay $0x2  }
0x11a: {  	s1 =	sadd.s32 $0xF, s30  }
0x11b: {  	s2 =	sand.u32 $0xF, s1  }
0x11c: {  	s4 =	sshra.s32 s1, $0x1F;
	p6 =	slt.s32 s1, $0x1;
	p2 =	sne.s32 s2, $0x0  }
0x11d: {  	s31 =	sshrl.u32 s4, $0x1C;
	p1 =	por !p6, !p2  }
0x11e: {  	s2 =	simm.s32 $0x1;
	s1 =	sadd.s32 s31, s1;
	p1 =	por !p1, !p1  }
0x11f: {  	s1 =	sshra.s32 s1, $0x4;
	s2 =	simm.s32 @!p1 $0x0  }
0x120: {  	s20 =	ssub.s32 s1, s2  }
0x121: {  	p2 =	slt.s32 s20, $0x2  }
.Ltmp13:
0x122: {  	_ = 	snop;
	(pc) =	sbr.rel @p2 .LBB2_33-.Ltmp13, $3  }
0x123: {  	_ =	sdelay $0x1  }
0x124: {  	v3, v5, _ =	vpop @!p0 (xrf1)  }
0x125: {  	v4 =	vpsel p0, v6, v3;
	v3 =	vpsel p0, v7, v5  }
0x126: {  	s2 =	sshll.u32 s24, $0x2;
	s4 =	sshll.u32 s29, $0x2  }
0x127: {  	s2 =	sadd.s32 s4, s2;
	s4 =	simm.s32 $0xFFFFFFFF  }
0x128: {  	s4 =	simm.s32 @!p1 $0x0  }
0x129: {  	s1 =	sadd.s32 s4, s1  }
0x12a: {  	s4 =	sadd.s32 $0xFFFFFFFF, s1  }
0x12b: {  	p3 =	sne.s32 s4, $0x1  }
.Ltmp14:
0x12c: {  	_ = 	snop;
	(pc) =	sbr.rel @!p3 .LBB2_27-.Ltmp14, $4  }
0x12d: {  	p2 =	slt.s32 s13, s22;
	s2 =	ssub.s32 s2, s23  }
0x12e: {  	s21 =	sadd.s32 $0x10, s29;
	s22 =	smov.u32 @p2 s13;
	s2 =	sshra.s32 s2, $0x2  }
0x12f: {  	p2 =	por $0x0, $0x0;
	s31 =	ssub.s32 s22, s29;
	s1 =	sadd.s32 $0x710, s2  }
0x130: {  	p1 =	por $0x0, $0x0;
	s2 =	sadd.s32 $0xFFFFFFF0, s31;
	v5 =	vld [tilespmem:s1+$0x0];
	s5 =	sadd.s32 $0xFFFFFFFF, s4  }
0x131: {  	_ =	sdelay $0x1  }
0x132: {  	v6 =	vmov s2  }
0x133: {  	vm2 =	vgt.s32 v6, v0;
	v6 =	vadd.s32 s21, v0  }
0x134: {  	v6 =	vnsel vm2, $0xFFFFFFFF, v6;
	v5 =	vnsel vm2, $0xFF800000, v5  }
0x135: {  	(xrf1) =	vsort.dscd.msk.f32 $0xffff, v5, v6;
	_ =	sdelay $0x6  }
0x136: {  	p3 =	sne.s32 s5, $0x1  }
.Ltmp15:
0x137: {  	_ = 	snop;
	(pc) =	sbr.rel @!p3 .LBB2_29-.Ltmp15, $3  }
0x138: {  	_ =	sdelay $0x1  }
0x139: {  	s4 =	sadd.s32 $0x10, s1  }
0x13a: {  	s5 =	sadd.s32 $0xFFFFFFFF, s5;
	p1 =	por $0x1, $0x1;
	v5 =	vld [tilespmem:s4+$0x0]  }
0x13b: {  	s1 =	sadd.s32 $0xFFFFFFF0, s2  }
0x13c: {  	v6 =	vmov s1;
	_ =	sdelay $0x2  }
0x13d: {  	s9 =	sadd.s32 $0x10, s21;
	vm2 =	vgt.s32 v6, v0;
	v6, v7, _ =	vpop (xrf1)  }
0x13e: {  	v8 =	vadd.s32 s9, v0;
	v6 =	vperm.xlane v6, v1;
	v7 =	vperm.xlane v7, v1  }
0x13f: {  	v8 =	vnsel vm2, $0xFFFFFFFF, v8;
	v5 =	vnsel vm2, $0xFF800000, v5  }
0x140: {  	(xrf1) =	vsort.dscd.msk.f32 $0xffff, v5, v8;
	v5 =	vsel vm0, v4, v6;
	v6 =	vsel vm0, v3, v7  }
0x141: {  	(xrf1) =	vsort.dscd.msk.f32 $0xffff, v5, v6;
	_ =	sdelay $0x5  }
0x142: {  	p3 =	sne.s32 s5, $0x1  }
.Ltmp16:
0x143: {  	_ = 	snop;
	(pc) =	sbr.rel @!p3 .LBB2_32-.Ltmp16, $3  }
0x144: {  	_ =	sdelay $0x1  }
0x145: {  	s4 =	sadd.s32 $0x10, s4  }
0x146: {  	s5 =	sadd.s32 $0xFFFFFFFF, s5;
	p2 =	por $0x1, $0x1;
	v5 =	vld [tilespmem:s4+$0x0]  }
.LBB2_31:
0x147: {  	p3 =	sne.s32 s5, $0x1;
	s1 =	sadd.s32 $0xFFFFFFF0, s1  }
0x148: {  	s9 =	sadd.s32 $0x10, s9;
	v6 =	vmov s1  }
0x149: {  	v11 =	vadd.s32 s9, v0;
	vm2 =	vgt.s32 v6, v0  }
0x14a: {  	v10 =	vnsel vm2, $0xFFFFFFFF, v11;
	v7, v8, _ =	vpop (xrf1)  }
0x14b: {  	v9 =	vnsel vm2, $0xFF800000, v5;
	v7 =	vperm.xlane v7, v1;
	v8 =	vperm.xlane v8, v1  }
0x14c: {  	(xrf1) =	vsort.dscd.msk.f32 $0xffff, v9, v10;
	v5, v6, _ =	vpop (xrf1)  }
0x14d: {  	v5 =	vsel vm0, v5, v7;
	v6 =	vsel vm0, v6, v8  }
0x14e: {  	(xrf1) =	vsort.dscd.msk.f32 $0xffff, v5, v6;
	_ =	sdelay $0x3  }
.Ltmp17:
0x14f: {  	(pc) =	sbr.rel @p3 .LBB2_31-.Ltmp17, $3  }
0x150: {  	_ =	sdelay $0x1  }
0x151: {  	s4 =	sadd.s32 $0x10, s4  }
0x152: {  	s5 =	sadd.s32 $0xFFFFFFFF, s5;
	v5 =	vld [tilespmem:s4+$0x0]  }
.Ltmp18:
0x153: {  	_ = 	snop;
	(pc) =	sbr.rel .LBB2_32-.Ltmp18, $1  }
0x154: {  	_ =	sdelay $0x3  }
.LBB2_18:
0x155: {  	s1 =	smov.u32 s2;
	s9 =	smov.u32 s28  }
.LBB2_23:
0x156: {  	s1 =	sadd.s32 @p1 $0xFFFFFFF0, s1  }
0x157: {  	v10, v11, _ =	vpop @p1 (xrf1);
	s2 =	smov.u32 @p1 s1;
	s1 =	sadd.s32 @p1 $0x10, s9  }
0x158: {  	v10 =	vperm.xlane @p1 v10, v1;
	v11 =	vperm.xlane @p1 v11, v1;
	v12, v13, _ =	vpop @p2 (xrf1);
	v9 =	vmov s2;
	s28 =	smov.u32 @p1 s1  }
0x159: {  	v12 =	vpsel p2, v12, v7;
	vm2 =	vgt.s32 v9, v0;
	v63 =	vadd.s32 s28, v0  }
0x15a: {  	v13 =	vpsel p2, v13, v6;
	v9 =	vnsel vm2, $0xFFFFFFFF, v63;
	v8 =	vnsel vm2, $0xFF800000, v8  }
0x15b: {  	(xrf1) =	vsort.dscd.msk.f32 $0xffff, v8, v9;
	v8 =	vsel @p1 vm0, v12, v10;
	v9 =	vsel @p1 vm0, v13, v11  }
0x15c: {  	(xrf1) =	vsort.dscd.msk.f32 @p1 $0xffff, v8, v9;
	_ =	sdelay $0xc  }
0x15d: {  	v8, v9, _ =	vpop (xrf1)  }
0x15e: {  	v8 =	vperm.xlane v8, v1;
	v9 =	vperm.xlane v9, v1;
	v10, v11, _ =	vpop @p1 (xrf1)  }
0x15f: {  	v7 =	vpsel p1, v10, v7;
	v6 =	vpsel p1, v11, v6  }
0x160: {  	v7 =	vsel vm0, v7, v8;
	v6 =	vsel vm0, v6, v9  }
0x161: {  	(xrf1) =	vsort.dscd.msk.f32 $0xffff, v7, v6;
	_ =	sdelay $0xd  }
0x162: {  	v7, v6, _ =	vpop (xrf1)  }
.LBB2_24:
0x163: {  	v8 =	vmov s20  }
0x164: {  	v9 =	vshll.u32 v8, $0x3  }
0x165: {  	v8 =	vand.u32 $0x7F, v8;
	v9 =	vand.u32 $0xFFFFFC00, v9  }
0x166: {  	v8 =	vor.u32 v8, v9  }
0x167: {  	s20 =	sadd.s32 $0x1, s20;
	v8 =	vadd.s32 v2, v8  }
0x168: {  	p1 =	sne.s32 s20, s19  }
.Ltmp19:
0x169: {  	_ = 	snop;
	(pc) =	sbr.rel @!p1 .LBB2_25-.Ltmp19, $3  }
0x16a: {  	_ =	sdelay $0x1  }
0x16b: {  	[tilespmem:v8+s10+$0x0] =	vst.idx.msk $0xff, v7  }
0x16c: {  	s28 =	smov.u32 s29;
	[tilespmem:v8+s11+$0x0] =	vst.idx.msk $0xff, v6  }
.LBB2_16:
0x16d: {  	v6 =	vld [tilespmem:s20+$0x1];
	_ =	sdelay $0x4  }
0x16e: {  	(v2sf) =	vpush v6, $0x0;
	_ =	sdelay $0xd  }
0x16f: {  	v6 =	vld.idx.msk [tilespmem:v5+s28+$0x0 ss:$0x1], $0xffff  }
0x170: {  	s29 =	spop (v2sf)  }
0x171: {  	s1 =	ssub.s32 s29, s28  }
0x172: {  	v7 =	vmov s1  }
0x173: {  	vm2 =	vgt.s32 v7, v0;
	v7 =	vadd.s32 s28, v0  }
0x174: {  	v6 =	vnsel vm2, $0xFF800000, v6;
	v7 =	vnsel vm2, $0xFFFFFFFF, v7  }
0x175: {  	(xrf1) =	vsort.dscd.msk.f32 $0xffff, v6, v7;
	_ =	sdelay $0x1  }
0x176: {  	s2 =	sadd.s32 $0xF, s1  }
0x177: {  	s4 =	sand.u32 $0xF, s2  }
0x178: {  	s31 =	sshra.s32 s2, $0x1F;
	p2 =	slt.s32 s2, $0x1;
	p1 =	sne.s32 s4, $0x0  }
0x179: {  	s4 =	sshrl.u32 s31, $0x1C;
	p1 =	por !p2, !p1  }
0x17a: {  	s2 =	sadd.s32 s4, s2;
	s4 =	simm.s32 $0x1;
	p1 =	por !p1, !p1  }
0x17b: {  	s2 =	sshra.s32 s2, $0x4;
	s4 =	simm.s32 @!p1 $0x0  }
0x17c: {  	s4 =	ssub.s32 s2, s4  }
0x17d: {  	p2 =	slt.s32 s4, $0x2  }
.Ltmp20:
0x17e: {  	_ = 	snop;
	(pc) =	sbr.rel @p2 .LBB2_24-.Ltmp20, $2  }
0x17f: {  	_ =	sdelay $0x2  }
0x180: {  	v7, v6, _ =	vpop (xrf1)  }
0x181: {  	s4 =	simm.s32 $0xFFFFFFFF  }
0x182: {  	s4 =	simm.s32 @!p1 $0x0  }
0x183: {  	s2 =	sadd.s32 s4, s2  }
0x184: {  	s31 =	sadd.s32 $0xFFFFFFFF, s2  }
0x185: {  	p3 =	sne.s32 s31, $0x1  }
.Ltmp21:
0x186: {  	_ = 	snop;
	(pc) =	sbr.rel @!p3 .LBB2_18-.Ltmp21, $4  }
0x187: {  	s5 =	sshll.u32 s28, $0x2  }
0x188: {  	s30 =	sshra.s32 s5, $0x2  }
0x189: {  	s28 =	sadd.s32 $0x10, s28;
	p2 =	por $0x0, $0x0;
	s4 =	sadd.s32 s30, s25  }
0x18a: {  	p1 =	por $0x0, $0x0;
	s2 =	sadd.s32 $0xFFFFFFF0, s1;
	v8 =	vld [tilespmem:s4+$0x0];
	s1 =	sadd.s32 $0xFFFFFFFF, s31  }
0x18b: {  	_ =	sdelay $0x1  }
0x18c: {  	v9 =	vmov s2  }
0x18d: {  	vm2 =	vgt.s32 v9, v0;
	v9 =	vadd.s32 s28, v0  }
0x18e: {  	v9 =	vnsel vm2, $0xFFFFFFFF, v9;
	v8 =	vnsel vm2, $0xFF800000, v8  }
0x18f: {  	(xrf1) =	vsort.dscd.msk.f32 $0xffff, v8, v9;
	_ =	sdelay $0x6  }
0x190: {  	p3 =	sne.s32 s1, $0x1  }
.Ltmp22:
0x191: {  	_ = 	snop;
	(pc) =	sbr.rel @!p3 .LBB2_20-.Ltmp22, $3  }
0x192: {  	_ =	sdelay $0x1  }
0x193: {  	s4 =	sadd.s32 $0x10, s4  }
0x194: {  	s5 =	sadd.s32 $0xFFFFFFFF, s1;
	p1 =	por $0x1, $0x1;
	v8 =	vld [tilespmem:s4+$0x0]  }
0x195: {  	s1 =	sadd.s32 $0xFFFFFFF0, s2  }
0x196: {  	v9 =	vmov s1;
	_ =	sdelay $0x2  }
0x197: {  	s9 =	sadd.s32 $0x10, s28;
	vm2 =	vgt.s32 v9, v0;
	v9, v10, _ =	vpop (xrf1)  }
0x198: {  	v11 =	vadd.s32 s9, v0;
	v9 =	vperm.xlane v9, v1;
	v10 =	vperm.xlane v10, v1  }
0x199: {  	v11 =	vnsel vm2, $0xFFFFFFFF, v11;
	v8 =	vnsel vm2, $0xFF800000, v8  }
0x19a: {  	(xrf1) =	vsort.dscd.msk.f32 $0xffff, v8, v11;
	v8 =	vsel vm0, v7, v9;
	v9 =	vsel vm0, v6, v10  }
0x19b: {  	(xrf1) =	vsort.dscd.msk.f32 $0xffff, v8, v9;
	_ =	sdelay $0x5  }
0x19c: {  	p3 =	sne.s32 s5, $0x1  }
.Ltmp23:
0x19d: {  	_ = 	snop;
	(pc) =	sbr.rel @!p3 .LBB2_23-.Ltmp23, $3  }
0x19e: {  	_ =	sdelay $0x1  }
0x19f: {  	s4 =	sadd.s32 $0x10, s4  }
0x1a0: {  	s5 =	sadd.s32 $0xFFFFFFFF, s5;
	p2 =	por $0x1, $0x1;
	v8 =	vld [tilespmem:s4+$0x0]  }
.LBB2_22:
0x1a1: {  	p3 =	sne.s32 s5, $0x1;
	s1 =	sadd.s32 $0xFFFFFFF0, s1  }
0x1a2: {  	s9 =	sadd.s32 $0x10, s9;
	v9 =	vmov s1  }
0x1a3: {  	vm2 =	vgt.s32 v9, v0;
	v9 =	vadd.s32 s9, v0  }
0x1a4: {  	v13 =	vnsel vm2, $0xFFFFFFFF, v9;
	v10, v11, _ =	vpop (xrf1)  }
0x1a5: {  	v12 =	vnsel vm2, $0xFF800000, v8;
	v10 =	vperm.xlane v10, v1;
	v11 =	vperm.xlane v11, v1  }
0x1a6: {  	(xrf1) =	vsort.dscd.msk.f32 $0xffff, v12, v13;
	v9, v8, _ =	vpop (xrf1)  }
0x1a7: {  	v9 =	vsel vm0, v9, v10;
	v8 =	vsel vm0, v8, v11  }
0x1a8: {  	(xrf1) =	vsort.dscd.msk.f32 $0xffff, v9, v8;
	_ =	sdelay $0x3  }
.Ltmp24:
0x1a9: {  	(pc) =	sbr.rel @p3 .LBB2_22-.Ltmp24, $3  }
0x1aa: {  	_ =	sdelay $0x1  }
0x1ab: {  	s4 =	sadd.s32 $0x10, s4  }
0x1ac: {  	s5 =	sadd.s32 $0xFFFFFFFF, s5;
	v8 =	vld [tilespmem:s4+$0x0]  }
.Ltmp25:
0x1ad: {  	_ = 	snop;
	(pc) =	sbr.rel .LBB2_23-.Ltmp25, $1  }
0x1ae: {  	_ =	sdelay $0x3  }
.LBB2_20:
.Ltmp26:
0x1af: {  	(pc) =	sbr.rel .LBB2_23-.Ltmp26, $2  }
0x1b0: {  	_ =	sdelay $0x2  }
0x1b1: {  	s1 =	smov.u32 s2;
	s9 =	smov.u32 s28  }
.LBB2_29:
.Ltmp27:
0x1b2: {  	(pc) =	sbr.rel .LBB2_32-.Ltmp27, $2  }
0x1b3: {  	_ =	sdelay $0x2  }
0x1b4: {  	s1 =	smov.u32 s2;
	s9 =	smov.u32 s21  }
.LBB2_6:
.Ltmp28:
0x1b5: {  	(pc) =	sbr.rel .LBB2_11-.Ltmp28, $2  }
0x1b6: {  	_ =	sdelay $0x2  }
0x1b7: {  	s2 =	smov.u32 s1;
	s25 =	smov.u32 s9  }
.LBB2_8:
.Ltmp29:
0x1b8: {  	(pc) =	sbr.rel .LBB2_11-.Ltmp29, $2  }
0x1b9: {  	_ =	sdelay $0x2  }
0x1ba: {  	s2 =	smov.u32 s1;
	s25 =	smov.u32 s9  }
.LBB2_35:
0x1bb: {  	_ =	sfence.sel $0x180000  }
0x1bc: {  	[bflag:$0x0] =	sbarrier.arrive $0xFFFF  }
0x1bd: {  	_ =	strace $0x90000047  }
0x1be: {  	s0 =	stileid.u32;
	[bflag:$0x2] =	sbarrier.arrive $0xFFFF  }
0x1bf: {  	p0 =	sne.s32 s0, $0x0;
	s0 =	rddreg [dreg:$0x4]  }
0x1c0: {  	s0 =	sadd.s32 @!p0 $0x100000, s0  }
0x1c1: {  	[sflag:s0] =	ssyncadd.tile.s32 @!p0 $0x1;
	_ =	shalt  }
.Lfunc_end2:
_tile_overlayer_lowered:
.L_overlay_start_2:
0x1c2: {  	(tag) =	ssettag $0x2  }
0x1c3: {  	s0 =	rddreg [dreg:$0x0];
	s2 =	stileid.u32  }
0x1c4: {  	s1 =	rddreg [dreg:$0x1];
	p0 =	sne.s32 s2, $0x0  }
0x1c5: {  	s3 =	rddreg [dreg:$0x2];
	[bflag:$0x3] =	sbarrier.arrive $0xFFFF;
	s2 =	simm.s32 @!p0 $0x1C02  }
0x1c6: {  	[timem:s3], [sflag:s2] =	dma.local @!p0 [hbm:s0], s1  }
0x1c7: {  	s0 =	simm.s32 @!p0 $0x2  }
0x1c8: {  	_ =	swait.ge @!p0 [sflag:s0], s1  }
0x1c9: {  	s1 =	ssub.s32 @!p0 $0x0, s1;
	[sflag:s0] =	ssyncset.done @!p0 $0x0  }
0x1ca: {  	[sflag:s0] =	ssyncadd.s32 @!p0 s1  }
0x1cb: {  	[bflag:$0x3] =	sbarrier.arrive $0xFFFF  }
0x1cc: {  	_ =	shalt  }

</sc_bundles>
